<compile_context>
chip_gen: v7x
topology: tpu7x:2x2x1
jax: 0.10.2.dev20260603
libtpu: 0.0.44.dev20260713+nightly
codegen_flags: <defaults>
</compile_context>

<pallas_src>
import functools

import jax
import jax.numpy as jnp
from jax import lax
from jax.experimental import pallas as pl
from jax.experimental.pallas import tpu as pltpu
from jax.experimental.pallas import tpu_sc as plsc

BATCH = 16384
FIELDS = 26
DIM = 64
VOCAB = 1000000
TOTAL = BATCH * FIELDS

NUM_CORES = 2
NUM_SUBCORES = 16
NW = NUM_CORES * NUM_SUBCORES

CHUNK = 128
BCHUNKS = BATCH // CHUNK
BCHUNKS_PER_W = BCHUNKS // NW
N_TASKS = FIELDS * BCHUNKS_PER_W
SPAN = CHUNK * BCHUNKS_PER_W

_MESH = plsc.VectorSubcoreMesh(core_axis_name="c", subcore_axis_name="s")


@functools.partial(
    pl.kernel,
    mesh=_MESH,
    compiler_params=pltpu.CompilerParams(use_tc_tiling_on_sc=False,
                                         needs_layout_passes=False),
    out_type=jax.ShapeDtypeStruct((FIELDS, 8, BCHUNKS, 8, CHUNK),
                                  jnp.float32),
    scratch_types=[
        pltpu.VMEM((FIELDS, SPAN), jnp.int32),
        [pltpu.VMEM((CHUNK, DIM), jnp.float32)] * 4,
        [pltpu.VMEM((8, 8, CHUNK + 1), jnp.float32)] * 4,
        [pltpu.SemaphoreType.DMA] * 4,
        [pltpu.SemaphoreType.DMA] * 4,
    ],
)
def _gather_kernel(idx_hbm, table, out, idx_v, gbufs, obufs, gsems, osems):
    wid = lax.axis_index("s") * NUM_CORES + lax.axis_index("c")
    iota = lax.iota(jnp.int32, 16)

    def stage(f, carry):
        pltpu.sync_copy(idx_hbm.at[pl.ds(f * BATCH + wid * SPAN, SPAN)],
                        idx_v.at[f])
        return carry

    lax.fori_loop(0, FIELDS, stage, 0, unroll=False)

    def task_fc(t):
        return t // BCHUNKS_PER_W, t % BCHUNKS_PER_W

    def gather(t, p):
        f, cc = task_fc(t)
        return pltpu.make_async_copy(
            table.at[idx_v.at[f, pl.ds(cc * CHUNK, CHUNK)]],
            gbufs[p], gsems[p])

    def store(t, p):
        f, cc = task_fc(t)
        bt = wid * BCHUNKS_PER_W + cc
        return pltpu.make_async_copy(
            obufs[p].at[:, :, pl.ds(0, CHUNK)], out.at[f, :, bt, :, :],
            osems[p])

    dt_vecs = [(jnp.int32(dg * 16) + iota) // 8 for dg in range(4)]
    ds_vecs = [(jnp.int32(dg * 16) + iota) % 8 for dg in range(4)]

    def select_transpose(p):
        gbuf, obuf = gbufs[p], obufs[p]

        @plsc.parallel_loop(0, CHUNK, unroll=4)
        def _(j):
            col = jnp.full((16,), j, jnp.int32)
            for dg in range(4):
                v = gbuf[j, pl.ds(dg * 16, 16)]
                plsc.store_scatter(obuf, [dt_vecs[dg], ds_vecs[dg], col], v)

    NBUF = 4
    for p in range(NBUF):
        gather(p, p).start()

    def task(g, carry):
        for p in range(NBUF):
            t = NBUF * g + p
            gather(t, p).wait()

            @pl.when(g >= 1)
            def _():
                store(t - NBUF, p).wait()

            select_transpose(p)
            store(t, p).start()

            @pl.when(g < N_TASKS // NBUF - 1)
            def _():
                gather(t + NBUF, p).start()

        return carry

    lax.fori_loop(0, N_TASKS // NBUF, task, 0, unroll=False)
    for p in range(NBUF):
        store(N_TASKS - NBUF + p, p).wait()


def kernel(input_card, table):
    idx_flat = input_card.T.astype(jnp.int32).reshape(TOTAL)
    out5 = _gather_kernel(idx_flat, table)
    return out5.transpose(2, 4, 0, 1, 3).reshape(BATCH, FIELDS, DIM)

# --- scband reference (transcript-rebuilt; emitter-appended) ---
"""Pipeline reference for scband-card2-vec-21792664060649 (READ-ONLY COPY).

The authoritative reference and input builder live on the scoring server;
editing this copy changes nothing except your own understanding.
"""

import jax, jax.numpy as jnp
import numpy as np

VOCAB_SIZE = 1000000
EMBEDDING_DIM = 64
BATCH = 16384
FIELDS = 26

def setup_inputs(seed: int = 0) -> dict:
    key = jax.random.key(seed)
    k1, k2 = jax.random.split(key)
    input_card = jax.random.randint(k1, (BATCH, FIELDS), 0, VOCAB_SIZE, dtype=jnp.int64 if jax.config.jax_enable_x64 else jnp.int32)
    table = jax.random.normal(k2, (VOCAB_SIZE, EMBEDDING_DIM), dtype=jnp.float32)
    return {"input_card": input_card, "table": table}

def reference(input_card, table):
    # nn.Embedding forward: gather rows of the embedding table
    return jnp.take(table, input_card, axis=0)

if __name__ == "__main__":
    import jax
    _d = setup_inputs()
    print(jax.jit(kernel)(*tuple(_d.values())))

</pallas_src>

<mosaic_0001>
#map = affine_map<(d0, d1) -> (0)>
#map1 = affine_map<(d0, d1) -> (0, 0)>
#map2 = affine_map<(d0, d1) -> (0, 0, 0, 0, 0)>
module attributes {stable_mosaic.version = 14 : i64} {
  func.func @_gather_kernel(%arg0: i32, %arg1: i32, %arg2: memref<425984xi32, #tpu.memory_space<hbm>>, %arg3: memref<1000000x64xf32, #tpu.memory_space<hbm>>, %arg4: memref<26x8x128x8x128xf32, #tpu.memory_space<hbm>>, %arg5: memref<26x512xi32, #tpu.memory_space<vmem>>, %arg6: memref<128x64xf32, #tpu.memory_space<vmem>>, %arg7: memref<128x64xf32, #tpu.memory_space<vmem>>, %arg8: memref<128x64xf32, #tpu.memory_space<vmem>>, %arg9: memref<128x64xf32, #tpu.memory_space<vmem>>, %arg10: memref<8x8x129xf32, #tpu.memory_space<vmem>>, %arg11: memref<8x8x129xf32, #tpu.memory_space<vmem>>, %arg12: memref<8x8x129xf32, #tpu.memory_space<vmem>>, %arg13: memref<8x8x129xf32, #tpu.memory_space<vmem>>, %arg14: memref<!tpu.dma_semaphore, #tpu.memory_space<semaphore_mem>>, %arg15: memref<!tpu.dma_semaphore, #tpu.memory_space<semaphore_mem>>, %arg16: memref<!tpu.dma_semaphore, #tpu.memory_space<semaphore_mem>>, %arg17: memref<!tpu.dma_semaphore, #tpu.memory_space<semaphore_mem>>, %arg18: memref<!tpu.dma_semaphore, #tpu.memory_space<semaphore_mem>>, %arg19: memref<!tpu.dma_semaphore, #tpu.memory_space<semaphore_mem>>, %arg20: memref<!tpu.dma_semaphore, #tpu.memory_space<semaphore_mem>>, %arg21: memref<!tpu.dma_semaphore, #tpu.memory_space<semaphore_mem>>) attributes {dimension_semantics = [#tpu.dimension_semantics<core_parallel>, #tpu.dimension_semantics<subcore_parallel>], iteration_bounds = array<i64: 2, 16>, scalar_prefetch = 0 : i64, scratch_operands = 17 : i64, tpu.core_type = #tpu.core_type<sc_vector_subcore>, window_params = [{transform_indices = #map}, {transform_indices = #map1}, {transform_indices = #map2}]} {
    %mul3A = arith.constant 2 : i32
    %mul3A_0 = arith.muli %arg1, %mul3A : i32
    %add3A = arith.addi %mul3A_0, %arg0 : i32
    %iota3A = tpu.iota {dimensions = array<i32: 0>} : vector<16xi32>
    %scan3A = arith.constant 0 : i32
    %scan3A_1 = arith.constant 0 : i32
    %scan3A_2 = arith.constant 26 : i32
    %scan3A_3 = arith.addi %scan3A_1, %scan3A_2 : i32
    %scan3A_4 = arith.constant 1 : i32
    scf.for %scan3A_356 = %scan3A_1 to %scan3A_3 step %scan3A_4  : i32 {
      %mul3A_357 = arith.constant 16384 : i32
      %mul3A_358 = arith.muli %scan3A_356, %mul3A_357 : i32
      %mul3A_359 = arith.constant 512 : i32
      %mul3A_360 = arith.muli %add3A, %mul3A_359 : i32
      %add3A_361 = arith.addi %mul3A_358, %mul3A_360 : i32
      "tpu.region"() ({
        %run_scoped3A = tpu.sem_alloc : memref<!tpu.dma_semaphore, #tpu.memory_space<semaphore_mem>>
        %dma_start3A_362 = arith.constant 0 : i32
        %dma_start3A_363 = tpu.memref_slice %arg5[%scan3A_356, %dma_start3A_362] : memref<26x512xi32, #tpu.memory_space<vmem>> -> memref<1x512xi32, #tpu.memory_space<vmem>>
        %dma_start3A_364 = tpu.memref_squeeze %dma_start3A_363 : memref<1x512xi32, #tpu.memory_space<vmem>> -> memref<512xi32, #tpu.memory_space<vmem>>
        %dma_start3A_365 = tpu.memref_slice %arg2[%add3A_361] : memref<425984xi32, #tpu.memory_space<hbm>> -> memref<512xi32, #tpu.memory_space<hbm>>
        %dma_start3A_366 = arith.constant 0 : i32
        %dma_start3A_367 = tpu.memref_slice %arg5[%scan3A_356, %dma_start3A_366] : memref<26x512xi32, #tpu.memory_space<vmem>> -> memref<1x512xi32, #tpu.memory_space<vmem>>
        %dma_start3A_368 = tpu.memref_squeeze %dma_start3A_367 : memref<1x512xi32, #tpu.memory_space<vmem>> -> memref<512xi32, #tpu.memory_space<vmem>>
        %dma_start3A_369 = tpu.memref_slice %arg2[%add3A_361] : memref<425984xi32, #tpu.memory_space<hbm>> -> memref<512xi32, #tpu.memory_space<hbm>>
        tpu.enqueue_dma source(%dma_start3A_369 : memref<512xi32, #tpu.memory_space<hbm>>) target(%dma_start3A_368 : memref<512xi32, #tpu.memory_space<vmem>>) target_semaphore(%run_scoped3A : memref<!tpu.dma_semaphore, #tpu.memory_space<semaphore_mem>>)
        %dma_wait3A_370 = arith.constant 0 : i32
        %dma_wait3A_371 = tpu.memref_slice %arg5[%scan3A_356, %dma_wait3A_370] : memref<26x512xi32, #tpu.memory_space<vmem>> -> memref<1x512xi32, #tpu.memory_space<vmem>>
        %dma_wait3A_372 = tpu.memref_squeeze %dma_wait3A_371 : memref<1x512xi32, #tpu.memory_space<vmem>> -> memref<512xi32, #tpu.memory_space<vmem>>
        %dma_wait3A_373 = tpu.memref_slice %arg2[%add3A_361] : memref<425984xi32, #tpu.memory_space<hbm>> -> memref<512xi32, #tpu.memory_space<hbm>>
        %dma_wait3A_374 = arith.constant 0 : i32
        %dma_wait3A_375 = tpu.memref_slice %arg5[%scan3A_356, %dma_wait3A_374] : memref<26x512xi32, #tpu.memory_space<vmem>> -> memref<1x512xi32, #tpu.memory_space<vmem>>
        %dma_wait3A_376 = tpu.memref_squeeze %dma_wait3A_375 : memref<1x512xi32, #tpu.memory_space<vmem>> -> memref<512xi32, #tpu.memory_space<vmem>>
        %dma_wait3A_377 = tpu.memref_slice %arg2[%add3A_361] : memref<425984xi32, #tpu.memory_space<hbm>> -> memref<512xi32, #tpu.memory_space<hbm>>
        tpu.wait_dma2 semaphore(%run_scoped3A : memref<!tpu.dma_semaphore, #tpu.memory_space<semaphore_mem>>) src(%dma_wait3A_377 : memref<512xi32, #tpu.memory_space<hbm>>) dst(%dma_wait3A_376 : memref<512xi32, #tpu.memory_space<vmem>>)
        tpu.yield
      }) : () -> ()
    }
    %scan3A_5 = arith.constant 26 : i32
    %add3A_6 = arith.constant 0 : i32
    %add3A_7 = vector.broadcast %add3A_6 : i32 to vector<16xi32>
    %add3A_8 = arith.addi %add3A_7, %iota3A : vector<16xi32>
    %jit3A = arith.constant 8 : i32
    %div3A = vector.broadcast %jit3A : i32 to vector<16xi32>
    %div3A_9 = arith.divsi %add3A_8, %div3A : vector<16xi32>
    %sign3A = arith.constant 0 : i32
    %sign3A_10 = vector.broadcast %sign3A : i32 to vector<16xi32>
    %sign3A_11 = arith.cmpi sgt, %add3A_8, %sign3A_10 : vector<16xi32>
    %sign3A_12 = arith.extui %sign3A_11 : vector<16xi1> to vector<16xi32>
    %sign3A_13 = arith.constant 0 : i32
    %sign3A_14 = vector.broadcast %sign3A_13 : i32 to vector<16xi32>
    %sign3A_15 = arith.cmpi slt, %add3A_8, %sign3A_14 : vector<16xi32>
    %sign3A_16 = arith.extui %sign3A_15 : vector<16xi1> to vector<16xi32>
    %sign3A_17 = arith.subi %sign3A_12, %sign3A_16 : vector<16xi32>
    %sign3A_18 = arith.constant 0 : i32
    %sign3A_19 = arith.cmpi sgt, %jit3A, %sign3A_18 : i32
    %sign3A_20 = arith.extui %sign3A_19 : i1 to i32
    %sign3A_21 = arith.constant 0 : i32
    %sign3A_22 = arith.cmpi slt, %jit3A, %sign3A_21 : i32
    %sign3A_23 = arith.extui %sign3A_22 : i1 to i32
    %sign3A_24 = arith.subi %sign3A_20, %sign3A_23 : i32
    %ne3A = vector.broadcast %sign3A_24 : i32 to vector<16xi32>
    %ne3A_25 = arith.cmpi ne, %sign3A_17, %ne3A : vector<16xi32>
    %rem3A = vector.broadcast %jit3A : i32 to vector<16xi32>
    %rem3A_26 = arith.remsi %add3A_8, %rem3A : vector<16xi32>
    %ne3A_27 = arith.constant 0 : i32
    %ne3A_28 = vector.broadcast %ne3A_27 : i32 to vector<16xi32>
    %ne3A_29 = arith.cmpi ne, %rem3A_26, %ne3A_28 : vector<16xi32>
    %and3A = arith.andi %ne3A_25, %ne3A_29 : vector<16xi1>
    %sub3A = arith.constant 1 : i32
    %sub3A_30 = vector.broadcast %sub3A : i32 to vector<16xi32>
    %sub3A_31 = arith.subi %div3A_9, %sub3A_30 : vector<16xi32>
    %select_n3A = arith.select %and3A, %sub3A_31, %div3A_9 : vector<16xi1>, vector<16xi32>
    %add3A_32 = arith.constant 16 : i32
    %add3A_33 = vector.broadcast %add3A_32 : i32 to vector<16xi32>
    %add3A_34 = arith.addi %add3A_33, %iota3A : vector<16xi32>
    %jit3A_35 = arith.constant 8 : i32
    %div3A_36 = vector.broadcast %jit3A_35 : i32 to vector<16xi32>
    %div3A_37 = arith.divsi %add3A_34, %div3A_36 : vector<16xi32>
    %sign3A_38 = arith.constant 0 : i32
    %sign3A_39 = vector.broadcast %sign3A_38 : i32 to vector<16xi32>
    %sign3A_40 = arith.cmpi sgt, %add3A_34, %sign3A_39 : vector<16xi32>
    %sign3A_41 = arith.extui %sign3A_40 : vector<16xi1> to vector<16xi32>
    %sign3A_42 = arith.constant 0 : i32
    %sign3A_43 = vector.broadcast %sign3A_42 : i32 to vector<16xi32>
    %sign3A_44 = arith.cmpi slt, %add3A_34, %sign3A_43 : vector<16xi32>
    %sign3A_45 = arith.extui %sign3A_44 : vector<16xi1> to vector<16xi32>
    %sign3A_46 = arith.subi %sign3A_41, %sign3A_45 : vector<16xi32>
    %sign3A_47 = arith.constant 0 : i32
    %sign3A_48 = arith.cmpi sgt, %jit3A_35, %sign3A_47 : i32
    %sign3A_49 = arith.extui %sign3A_48 : i1 to i32
    %sign3A_50 = arith.constant 0 : i32
    %sign3A_51 = arith.cmpi slt, %jit3A_35, %sign3A_50 : i32
    %sign3A_52 = arith.extui %sign3A_51 : i1 to i32
    %sign3A_53 = arith.subi %sign3A_49, %sign3A_52 : i32
    %ne3A_54 = vector.broadcast %sign3A_53 : i32 to vector<16xi32>
    %ne3A_55 = arith.cmpi ne, %sign3A_46, %ne3A_54 : vector<16xi32>
    %rem3A_56 = vector.broadcast %jit3A_35 : i32 to vector<16xi32>
    %rem3A_57 = arith.remsi %add3A_34, %rem3A_56 : vector<16xi32>
    %ne3A_58 = arith.constant 0 : i32
    %ne3A_59 = vector.broadcast %ne3A_58 : i32 to vector<16xi32>
    %ne3A_60 = arith.cmpi ne, %rem3A_57, %ne3A_59 : vector<16xi32>
    %and3A_61 = arith.andi %ne3A_55, %ne3A_60 : vector<16xi1>
    %sub3A_62 = arith.constant 1 : i32
    %sub3A_63 = vector.broadcast %sub3A_62 : i32 to vector<16xi32>
    %sub3A_64 = arith.subi %div3A_37, %sub3A_63 : vector<16xi32>
    %select_n3A_65 = arith.select %and3A_61, %sub3A_64, %div3A_37 : vector<16xi1>, vector<16xi32>
    %add3A_66 = arith.constant 32 : i32
    %add3A_67 = vector.broadcast %add3A_66 : i32 to vector<16xi32>
    %add3A_68 = arith.addi %add3A_67, %iota3A : vector<16xi32>
    %jit3A_69 = arith.constant 8 : i32
    %div3A_70 = vector.broadcast %jit3A_69 : i32 to vector<16xi32>
    %div3A_71 = arith.divsi %add3A_68, %div3A_70 : vector<16xi32>
    %sign3A_72 = arith.constant 0 : i32
    %sign3A_73 = vector.broadcast %sign3A_72 : i32 to vector<16xi32>
    %sign3A_74 = arith.cmpi sgt, %add3A_68, %sign3A_73 : vector<16xi32>
    %sign3A_75 = arith.extui %sign3A_74 : vector<16xi1> to vector<16xi32>
    %sign3A_76 = arith.constant 0 : i32
    %sign3A_77 = vector.broadcast %sign3A_76 : i32 to vector<16xi32>
    %sign3A_78 = arith.cmpi slt, %add3A_68, %sign3A_77 : vector<16xi32>
    %sign3A_79 = arith.extui %sign3A_78 : vector<16xi1> to vector<16xi32>
    %sign3A_80 = arith.subi %sign3A_75, %sign3A_79 : vector<16xi32>
    %sign3A_81 = arith.constant 0 : i32
    %sign3A_82 = arith.cmpi sgt, %jit3A_69, %sign3A_81 : i32
    %sign3A_83 = arith.extui %sign3A_82 : i1 to i32
    %sign3A_84 = arith.constant 0 : i32
    %sign3A_85 = arith.cmpi slt, %jit3A_69, %sign3A_84 : i32
    %sign3A_86 = arith.extui %sign3A_85 : i1 to i32
    %sign3A_87 = arith.subi %sign3A_83, %sign3A_86 : i32
    %ne3A_88 = vector.broadcast %sign3A_87 : i32 to vector<16xi32>
    %ne3A_89 = arith.cmpi ne, %sign3A_80, %ne3A_88 : vector<16xi32>
    %rem3A_90 = vector.broadcast %jit3A_69 : i32 to vector<16xi32>
    %rem3A_91 = arith.remsi %add3A_68, %rem3A_90 : vector<16xi32>
    %ne3A_92 = arith.constant 0 : i32
    %ne3A_93 = vector.broadcast %ne3A_92 : i32 to vector<16xi32>
    %ne3A_94 = arith.cmpi ne, %rem3A_91, %ne3A_93 : vector<16xi32>
    %and3A_95 = arith.andi %ne3A_89, %ne3A_94 : vector<16xi1>
    %sub3A_96 = arith.constant 1 : i32
    %sub3A_97 = vector.broadcast %sub3A_96 : i32 to vector<16xi32>
    %sub3A_98 = arith.subi %div3A_71, %sub3A_97 : vector<16xi32>
    %select_n3A_99 = arith.select %and3A_95, %sub3A_98, %div3A_71 : vector<16xi1>, vector<16xi32>
    %add3A_100 = arith.constant 48 : i32
    %add3A_101 = vector.broadcast %add3A_100 : i32 to vector<16xi32>
    %add3A_102 = arith.addi %add3A_101, %iota3A : vector<16xi32>
    %jit3A_103 = arith.constant 8 : i32
    %div3A_104 = vector.broadcast %jit3A_103 : i32 to vector<16xi32>
    %div3A_105 = arith.divsi %add3A_102, %div3A_104 : vector<16xi32>
    %sign3A_106 = arith.constant 0 : i32
    %sign3A_107 = vector.broadcast %sign3A_106 : i32 to vector<16xi32>
    %sign3A_108 = arith.cmpi sgt, %add3A_102, %sign3A_107 : vector<16xi32>
    %sign3A_109 = arith.extui %sign3A_108 : vector<16xi1> to vector<16xi32>
    %sign3A_110 = arith.constant 0 : i32
    %sign3A_111 = vector.broadcast %sign3A_110 : i32 to vector<16xi32>
    %sign3A_112 = arith.cmpi slt, %add3A_102, %sign3A_111 : vector<16xi32>
    %sign3A_113 = arith.extui %sign3A_112 : vector<16xi1> to vector<16xi32>
    %sign3A_114 = arith.subi %sign3A_109, %sign3A_113 : vector<16xi32>
    %sign3A_115 = arith.constant 0 : i32
    %sign3A_116 = arith.cmpi sgt, %jit3A_103, %sign3A_115 : i32
    %sign3A_117 = arith.extui %sign3A_116 : i1 to i32
    %sign3A_118 = arith.constant 0 : i32
    %sign3A_119 = arith.cmpi slt, %jit3A_103, %sign3A_118 : i32
    %sign3A_120 = arith.extui %sign3A_119 : i1 to i32
    %sign3A_121 = arith.subi %sign3A_117, %sign3A_120 : i32
    %ne3A_122 = vector.broadcast %sign3A_121 : i32 to vector<16xi32>
    %ne3A_123 = arith.cmpi ne, %sign3A_114, %ne3A_122 : vector<16xi32>
    %rem3A_124 = vector.broadcast %jit3A_103 : i32 to vector<16xi32>
    %rem3A_125 = arith.remsi %add3A_102, %rem3A_124 : vector<16xi32>
    %ne3A_126 = arith.constant 0 : i32
    %ne3A_127 = vector.broadcast %ne3A_126 : i32 to vector<16xi32>
    %ne3A_128 = arith.cmpi ne, %rem3A_125, %ne3A_127 : vector<16xi32>
    %and3A_129 = arith.andi %ne3A_123, %ne3A_128 : vector<16xi1>
    %sub3A_130 = arith.constant 1 : i32
    %sub3A_131 = vector.broadcast %sub3A_130 : i32 to vector<16xi32>
    %sub3A_132 = arith.subi %div3A_105, %sub3A_131 : vector<16xi32>
    %select_n3A_133 = arith.select %and3A_129, %sub3A_132, %div3A_105 : vector<16xi1>, vector<16xi32>
    %add3A_134 = arith.constant 0 : i32
    %add3A_135 = vector.broadcast %add3A_134 : i32 to vector<16xi32>
    %add3A_136 = arith.addi %add3A_135, %iota3A : vector<16xi32>
    %jit3A_137 = arith.constant 8 : i32
    %eq3A = arith.constant 0 : i32
    %eq3A_138 = arith.cmpi eq, %jit3A_137, %eq3A : i32
    %jit3A_139 = arith.constant 1 : i32
    %select_n3A_140 = arith.select %eq3A_138, %jit3A_139, %jit3A_137 : i32
    %rem3A_141 = vector.broadcast %select_n3A_140 : i32 to vector<16xi32>
    %rem3A_142 = arith.remsi %add3A_136, %rem3A_141 : vector<16xi32>
    %ne3A_143 = arith.constant 0 : i32
    %ne3A_144 = vector.broadcast %ne3A_143 : i32 to vector<16xi32>
    %ne3A_145 = arith.cmpi ne, %rem3A_142, %ne3A_144 : vector<16xi32>
    %lt3A = arith.constant 0 : i32
    %lt3A_146 = vector.broadcast %lt3A : i32 to vector<16xi32>
    %lt3A_147 = arith.cmpi slt, %rem3A_142, %lt3A_146 : vector<16xi32>
    %lt3A_148 = arith.constant 0 : i32
    %lt3A_149 = arith.cmpi slt, %select_n3A_140, %lt3A_148 : i32
    %ne3A_150 = vector.broadcast %lt3A_149 : i1 to vector<16xi1>
    %ne3A_151 = vector.broadcast %ne3A_150 : vector<16xi1> to vector<16xi1>
    %ne3A_152 = arith.xori %lt3A_147, %ne3A_151 : vector<16xi1>
    %and3A_153 = arith.andi %ne3A_152, %ne3A_145 : vector<16xi1>
    %add3A_154 = vector.broadcast %select_n3A_140 : i32 to vector<16xi32>
    %add3A_155 = arith.addi %rem3A_142, %add3A_154 : vector<16xi32>
    %select_n3A_156 = arith.select %and3A_153, %add3A_155, %rem3A_142 : vector<16xi1>, vector<16xi32>
    %add3A_157 = arith.constant 16 : i32
    %add3A_158 = vector.broadcast %add3A_157 : i32 to vector<16xi32>
    %add3A_159 = arith.addi %add3A_158, %iota3A : vector<16xi32>
    %jit3A_160 = arith.constant 8 : i32
    %eq3A_161 = arith.constant 0 : i32
    %eq3A_162 = arith.cmpi eq, %jit3A_160, %eq3A_161 : i32
    %jit3A_163 = arith.constant 1 : i32
    %select_n3A_164 = arith.select %eq3A_162, %jit3A_163, %jit3A_160 : i32
    %rem3A_165 = vector.broadcast %select_n3A_164 : i32 to vector<16xi32>
    %rem3A_166 = arith.remsi %add3A_159, %rem3A_165 : vector<16xi32>
    %ne3A_167 = arith.constant 0 : i32
    %ne3A_168 = vector.broadcast %ne3A_167 : i32 to vector<16xi32>
    %ne3A_169 = arith.cmpi ne, %rem3A_166, %ne3A_168 : vector<16xi32>
    %lt3A_170 = arith.constant 0 : i32
    %lt3A_171 = vector.broadcast %lt3A_170 : i32 to vector<16xi32>
    %lt3A_172 = arith.cmpi slt, %rem3A_166, %lt3A_171 : vector<16xi32>
    %lt3A_173 = arith.constant 0 : i32
    %lt3A_174 = arith.cmpi slt, %select_n3A_164, %lt3A_173 : i32
    %ne3A_175 = vector.broadcast %lt3A_174 : i1 to vector<16xi1>
    %ne3A_176 = vector.broadcast %ne3A_175 : vector<16xi1> to vector<16xi1>
    %ne3A_177 = arith.xori %lt3A_172, %ne3A_176 : vector<16xi1>
    %and3A_178 = arith.andi %ne3A_177, %ne3A_169 : vector<16xi1>
    %add3A_179 = vector.broadcast %select_n3A_164 : i32 to vector<16xi32>
    %add3A_180 = arith.addi %rem3A_166, %add3A_179 : vector<16xi32>
    %select_n3A_181 = arith.select %and3A_178, %add3A_180, %rem3A_166 : vector<16xi1>, vector<16xi32>
    %add3A_182 = arith.constant 32 : i32
    %add3A_183 = vector.broadcast %add3A_182 : i32 to vector<16xi32>
    %add3A_184 = arith.addi %add3A_183, %iota3A : vector<16xi32>
    %jit3A_185 = arith.constant 8 : i32
    %eq3A_186 = arith.constant 0 : i32
    %eq3A_187 = arith.cmpi eq, %jit3A_185, %eq3A_186 : i32
    %jit3A_188 = arith.constant 1 : i32
    %select_n3A_189 = arith.select %eq3A_187, %jit3A_188, %jit3A_185 : i32
    %rem3A_190 = vector.broadcast %select_n3A_189 : i32 to vector<16xi32>
    %rem3A_191 = arith.remsi %add3A_184, %rem3A_190 : vector<16xi32>
    %ne3A_192 = arith.constant 0 : i32
    %ne3A_193 = vector.broadcast %ne3A_192 : i32 to vector<16xi32>
    %ne3A_194 = arith.cmpi ne, %rem3A_191, %ne3A_193 : vector<16xi32>
    %lt3A_195 = arith.constant 0 : i32
    %lt3A_196 = vector.broadcast %lt3A_195 : i32 to vector<16xi32>
    %lt3A_197 = arith.cmpi slt, %rem3A_191, %lt3A_196 : vector<16xi32>
    %lt3A_198 = arith.constant 0 : i32
    %lt3A_199 = arith.cmpi slt, %select_n3A_189, %lt3A_198 : i32
    %ne3A_200 = vector.broadcast %lt3A_199 : i1 to vector<16xi1>
    %ne3A_201 = vector.broadcast %ne3A_200 : vector<16xi1> to vector<16xi1>
    %ne3A_202 = arith.xori %lt3A_197, %ne3A_201 : vector<16xi1>
    %and3A_203 = arith.andi %ne3A_202, %ne3A_194 : vector<16xi1>
    %add3A_204 = vector.broadcast %select_n3A_189 : i32 to vector<16xi32>
    %add3A_205 = arith.addi %rem3A_191, %add3A_204 : vector<16xi32>
    %select_n3A_206 = arith.select %and3A_203, %add3A_205, %rem3A_191 : vector<16xi1>, vector<16xi32>
    %add3A_207 = arith.constant 48 : i32
    %add3A_208 = vector.broadcast %add3A_207 : i32 to vector<16xi32>
    %add3A_209 = arith.addi %add3A_208, %iota3A : vector<16xi32>
    %jit3A_210 = arith.constant 8 : i32
    %eq3A_211 = arith.constant 0 : i32
    %eq3A_212 = arith.cmpi eq, %jit3A_210, %eq3A_211 : i32
    %jit3A_213 = arith.constant 1 : i32
    %select_n3A_214 = arith.select %eq3A_212, %jit3A_213, %jit3A_210 : i32
    %rem3A_215 = vector.broadcast %select_n3A_214 : i32 to vector<16xi32>
    %rem3A_216 = arith.remsi %add3A_209, %rem3A_215 : vector<16xi32>
    %ne3A_217 = arith.constant 0 : i32
    %ne3A_218 = vector.broadcast %ne3A_217 : i32 to vector<16xi32>
    %ne3A_219 = arith.cmpi ne, %rem3A_216, %ne3A_218 : vector<16xi32>
    %lt3A_220 = arith.constant 0 : i32
    %lt3A_221 = vector.broadcast %lt3A_220 : i32 to vector<16xi32>
    %lt3A_222 = arith.cmpi slt, %rem3A_216, %lt3A_221 : vector<16xi32>
    %lt3A_223 = arith.constant 0 : i32
    %lt3A_224 = arith.cmpi slt, %select_n3A_214, %lt3A_223 : i32
    %ne3A_225 = vector.broadcast %lt3A_224 : i1 to vector<16xi1>
    %ne3A_226 = vector.broadcast %ne3A_225 : vector<16xi1> to vector<16xi1>
    %ne3A_227 = arith.xori %lt3A_222, %ne3A_226 : vector<16xi1>
    %and3A_228 = arith.andi %ne3A_227, %ne3A_219 : vector<16xi1>
    %add3A_229 = vector.broadcast %select_n3A_214 : i32 to vector<16xi32>
    %add3A_230 = arith.addi %rem3A_216, %add3A_229 : vector<16xi32>
    %select_n3A_231 = arith.select %and3A_228, %add3A_230, %rem3A_216 : vector<16xi1>, vector<16xi32>
    %dma_start3A = arith.constant 0 : i32
    %dma_start3A_232 = arith.constant 0 : i32
    %dma_start3A_233 = tpu.memref_slice %arg5[%dma_start3A, %dma_start3A_232] : memref<26x512xi32, #tpu.memory_space<vmem>> -> memref<1x128xi32, #tpu.memory_space<vmem>>
    %dma_start3A_234 = tpu.memref_squeeze %dma_start3A_233 : memref<1x128xi32, #tpu.memory_space<vmem>> -> memref<128xi32, #tpu.memory_space<vmem>>
    %dma_start3A_235 = arith.constant 0 : i32
    %dma_start3A_236 = arith.constant 0 : i32
    %dma_start3A_237 = tpu.memref_slice %arg3[%dma_start3A_235, %dma_start3A_236] : memref<1000000x64xf32, #tpu.memory_space<hbm>> -> memref<1000000x64xf32, #tpu.memory_space<hbm>>
    tpu.enqueue_indirect_dma source(%dma_start3A_237 : memref<1000000x64xf32, #tpu.memory_space<hbm>>) target(%arg6 : memref<128x64xf32, #tpu.memory_space<vmem>>) offsets(%dma_start3A_234 : memref<128xi32, #tpu.memory_space<vmem>>) semaphore(%arg14 : memref<!tpu.dma_semaphore, #tpu.memory_space<semaphore_mem>>)
    %dma_start3A_238 = arith.constant 0 : i32
    %dma_start3A_239 = arith.constant 128 : i32
    %dma_start3A_240 = tpu.memref_slice %arg5[%dma_start3A_238, %dma_start3A_239] : memref<26x512xi32, #tpu.memory_space<vmem>> -> memref<1x128xi32, #tpu.memory_space<vmem>>
    %dma_start3A_241 = tpu.memref_squeeze %dma_start3A_240 : memref<1x128xi32, #tpu.memory_space<vmem>> -> memref<128xi32, #tpu.memory_space<vmem>>
    %dma_start3A_242 = arith.constant 0 : i32
    %dma_start3A_243 = arith.constant 0 : i32
    %dma_start3A_244 = tpu.memref_slice %arg3[%dma_start3A_242, %dma_start3A_243] : memref<1000000x64xf32, #tpu.memory_space<hbm>> -> memref<1000000x64xf32, #tpu.memory_space<hbm>>
    tpu.enqueue_indirect_dma source(%dma_start3A_244 : memref<1000000x64xf32, #tpu.memory_space<hbm>>) target(%arg7 : memref<128x64xf32, #tpu.memory_space<vmem>>) offsets(%dma_start3A_241 : memref<128xi32, #tpu.memory_space<vmem>>) semaphore(%arg15 : memref<!tpu.dma_semaphore, #tpu.memory_space<semaphore_mem>>)
    %dma_start3A_245 = arith.constant 0 : i32
    %dma_start3A_246 = arith.constant 256 : i32
    %dma_start3A_247 = tpu.memref_slice %arg5[%dma_start3A_245, %dma_start3A_246] : memref<26x512xi32, #tpu.memory_space<vmem>> -> memref<1x128xi32, #tpu.memory_space<vmem>>
    %dma_start3A_248 = tpu.memref_squeeze %dma_start3A_247 : memref<1x128xi32, #tpu.memory_space<vmem>> -> memref<128xi32, #tpu.memory_space<vmem>>
    %dma_start3A_249 = arith.constant 0 : i32
    %dma_start3A_250 = arith.constant 0 : i32
    %dma_start3A_251 = tpu.memref_slice %arg3[%dma_start3A_249, %dma_start3A_250] : memref<1000000x64xf32, #tpu.memory_space<hbm>> -> memref<1000000x64xf32, #tpu.memory_space<hbm>>
    tpu.enqueue_indirect_dma source(%dma_start3A_251 : memref<1000000x64xf32, #tpu.memory_space<hbm>>) target(%arg8 : memref<128x64xf32, #tpu.memory_space<vmem>>) offsets(%dma_start3A_248 : memref<128xi32, #tpu.memory_space<vmem>>) semaphore(%arg16 : memref<!tpu.dma_semaphore, #tpu.memory_space<semaphore_mem>>)
    %dma_start3A_252 = arith.constant 0 : i32
    %dma_start3A_253 = arith.constant 384 : i32
    %dma_start3A_254 = tpu.memref_slice %arg5[%dma_start3A_252, %dma_start3A_253] : memref<26x512xi32, #tpu.memory_space<vmem>> -> memref<1x128xi32, #tpu.memory_space<vmem>>
    %dma_start3A_255 = tpu.memref_squeeze %dma_start3A_254 : memref<1x128xi32, #tpu.memory_space<vmem>> -> memref<128xi32, #tpu.memory_space<vmem>>
    %dma_start3A_256 = arith.constant 0 : i32
    %dma_start3A_257 = arith.constant 0 : i32
    %dma_start3A_258 = tpu.memref_slice %arg3[%dma_start3A_256, %dma_start3A_257] : memref<1000000x64xf32, #tpu.memory_space<hbm>> -> memref<1000000x64xf32, #tpu.memory_space<hbm>>
    tpu.enqueue_indirect_dma source(%dma_start3A_258 : memref<1000000x64xf32, #tpu.memory_space<hbm>>) target(%arg9 : memref<128x64xf32, #tpu.memory_space<vmem>>) offsets(%dma_start3A_255 : memref<128xi32, #tpu.memory_space<vmem>>) semaphore(%arg17 : memref<!tpu.dma_semaphore, #tpu.memory_space<semaphore_mem>>)
    %scan3A_259 = arith.constant 0 : i32
    %scan3A_260 = arith.constant 0 : i32
    %scan3A_261 = arith.constant 26 : i32
    %scan3A_262 = arith.addi %scan3A_260, %scan3A_261 : i32
    %scan3A_263 = arith.constant 1 : i32
    scf.for %scan3A_356 = %scan3A_260 to %scan3A_262 step %scan3A_263  : i32 {
      %mul3A_357 = arith.constant 4 : i32
      %mul3A_358 = arith.muli %mul3A_357, %scan3A_356 : i32
      %add3A_359 = arith.constant 0 : i32
      %add3A_360 = arith.addi %mul3A_358, %add3A_359 : i32
      %jit3A_361 = arith.constant 4 : i32
      %div3A_362 = arith.divsi %add3A_360, %jit3A_361 : i32
      %sign3A_363 = arith.constant 0 : i32
      %sign3A_364 = arith.cmpi sgt, %add3A_360, %sign3A_363 : i32
      %sign3A_365 = arith.extui %sign3A_364 : i1 to i32
      %sign3A_366 = arith.constant 0 : i32
      %sign3A_367 = arith.cmpi slt, %add3A_360, %sign3A_366 : i32
      %sign3A_368 = arith.extui %sign3A_367 : i1 to i32
      %sign3A_369 = arith.subi %sign3A_365, %sign3A_368 : i32
      %sign3A_370 = arith.constant 0 : i32
      %sign3A_371 = arith.cmpi sgt, %jit3A_361, %sign3A_370 : i32
      %sign3A_372 = arith.extui %sign3A_371 : i1 to i32
      %sign3A_373 = arith.constant 0 : i32
      %sign3A_374 = arith.cmpi slt, %jit3A_361, %sign3A_373 : i32
      %sign3A_375 = arith.extui %sign3A_374 : i1 to i32
      %sign3A_376 = arith.subi %sign3A_372, %sign3A_375 : i32
      %ne3A_377 = arith.cmpi ne, %sign3A_369, %sign3A_376 : i32
      %rem3A_378 = arith.remsi %add3A_360, %jit3A_361 : i32
      %ne3A_379 = arith.constant 0 : i32
      %ne3A_380 = arith.cmpi ne, %rem3A_378, %ne3A_379 : i32
      %and3A_381 = arith.andi %ne3A_377, %ne3A_380 : i1
      %sub3A_382 = arith.constant 1 : i32
      %sub3A_383 = arith.subi %div3A_362, %sub3A_382 : i32
      %select_n3A_384 = arith.select %and3A_381, %sub3A_383, %div3A_362 : i32
      %jit3A_385 = arith.constant 4 : i32
      %eq3A_386 = arith.constant 0 : i32
      %eq3A_387 = arith.cmpi eq, %jit3A_385, %eq3A_386 : i32
      %jit3A_388 = arith.constant 1 : i32
      %select_n3A_389 = arith.select %eq3A_387, %jit3A_388, %jit3A_385 : i32
      %rem3A_390 = arith.remsi %add3A_360, %select_n3A_389 : i32
      %ne3A_391 = arith.constant 0 : i32
      %ne3A_392 = arith.cmpi ne, %rem3A_390, %ne3A_391 : i32
      %lt3A_393 = arith.constant 0 : i32
      %lt3A_394 = arith.cmpi slt, %rem3A_390, %lt3A_393 : i32
      %lt3A_395 = arith.constant 0 : i32
      %lt3A_396 = arith.cmpi slt, %select_n3A_389, %lt3A_395 : i32
      %ne3A_397 = arith.xori %lt3A_394, %lt3A_396 : i1
      %and3A_398 = arith.andi %ne3A_397, %ne3A_392 : i1
      %add3A_399 = arith.addi %rem3A_390, %select_n3A_389 : i32
      %select_n3A_400 = arith.select %and3A_398, %add3A_399, %rem3A_390 : i32
      %mul3A_401 = arith.constant 128 : i32
      %mul3A_402 = arith.muli %select_n3A_400, %mul3A_401 : i32
      %dma_wait3A_403 = tpu.memref_slice %arg5[%select_n3A_384, %mul3A_402] : memref<26x512xi32, #tpu.memory_space<vmem>> -> memref<1x128xi32, #tpu.memory_space<vmem>>
      %dma_wait3A_404 = tpu.memref_squeeze %dma_wait3A_403 : memref<1x128xi32, #tpu.memory_space<vmem>> -> memref<128xi32, #tpu.memory_space<vmem>>
      %dma_wait3A_405 = arith.constant 0 : i32
      %dma_wait3A_406 = arith.constant 0 : i32
      %dma_wait3A_407 = tpu.memref_slice %arg3[%dma_wait3A_405, %dma_wait3A_406] : memref<1000000x64xf32, #tpu.memory_space<hbm>> -> memref<1000000x64xf32, #tpu.memory_space<hbm>>
      tpu.wait_indirect_dma semaphore(%arg14 : memref<!tpu.dma_semaphore, #tpu.memory_space<semaphore_mem>>) src(%dma_wait3A_407 : memref<1000000x64xf32, #tpu.memory_space<hbm>>) dst(%arg6 : memref<128x64xf32, #tpu.memory_space<vmem>>)
      %ge3A = arith.constant 1 : i32
      %ge3A_408 = arith.cmpi sge, %scan3A_356, %ge3A : i32
      %convert_element_type3A = arith.extui %ge3A_408 : i1 to i32
      %cond3A = arith.constant 0 : i32
      %cond3A_409 = arith.cmpi ne, %convert_element_type3A, %cond3A : i32
      scf.if %cond3A_409 {
        %sub3A_853 = arith.constant 4 : i32
        %sub3A_854 = arith.subi %add3A_360, %sub3A_853 : i32
        %jit3A_855 = arith.constant 4 : i32
        %div3A_856 = arith.divsi %sub3A_854, %jit3A_855 : i32
        %sign3A_857 = arith.constant 0 : i32
        %sign3A_858 = arith.cmpi sgt, %sub3A_854, %sign3A_857 : i32
        %sign3A_859 = arith.extui %sign3A_858 : i1 to i32
        %sign3A_860 = arith.constant 0 : i32
        %sign3A_861 = arith.cmpi slt, %sub3A_854, %sign3A_860 : i32
        %sign3A_862 = arith.extui %sign3A_861 : i1 to i32
        %sign3A_863 = arith.subi %sign3A_859, %sign3A_862 : i32
        %sign3A_864 = arith.constant 0 : i32
        %sign3A_865 = arith.cmpi sgt, %jit3A_855, %sign3A_864 : i32
        %sign3A_866 = arith.extui %sign3A_865 : i1 to i32
        %sign3A_867 = arith.constant 0 : i32
        %sign3A_868 = arith.cmpi slt, %jit3A_855, %sign3A_867 : i32
        %sign3A_869 = arith.extui %sign3A_868 : i1 to i32
        %sign3A_870 = arith.subi %sign3A_866, %sign3A_869 : i32
        %ne3A_871 = arith.cmpi ne, %sign3A_863, %sign3A_870 : i32
        %rem3A_872 = arith.remsi %sub3A_854, %jit3A_855 : i32
        %ne3A_873 = arith.constant 0 : i32
        %ne3A_874 = arith.cmpi ne, %rem3A_872, %ne3A_873 : i32
        %and3A_875 = arith.andi %ne3A_871, %ne3A_874 : i1
        %sub3A_876 = arith.constant 1 : i32
        %sub3A_877 = arith.subi %div3A_856, %sub3A_876 : i32
        %select_n3A_878 = arith.select %and3A_875, %sub3A_877, %div3A_856 : i32
        %jit3A_879 = arith.constant 4 : i32
        %eq3A_880 = arith.constant 0 : i32
        %eq3A_881 = arith.cmpi eq, %jit3A_879, %eq3A_880 : i32
        %jit3A_882 = arith.constant 1 : i32
        %select_n3A_883 = arith.select %eq3A_881, %jit3A_882, %jit3A_879 : i32
        %rem3A_884 = arith.remsi %sub3A_854, %select_n3A_883 : i32
        %ne3A_885 = arith.constant 0 : i32
        %ne3A_886 = arith.cmpi ne, %rem3A_884, %ne3A_885 : i32
        %lt3A_887 = arith.constant 0 : i32
        %lt3A_888 = arith.cmpi slt, %rem3A_884, %lt3A_887 : i32
        %lt3A_889 = arith.constant 0 : i32
        %lt3A_890 = arith.cmpi slt, %select_n3A_883, %lt3A_889 : i32
        %ne3A_891 = arith.xori %lt3A_888, %lt3A_890 : i1
        %and3A_892 = arith.andi %ne3A_891, %ne3A_886 : i1
        %add3A_893 = arith.addi %rem3A_884, %select_n3A_883 : i32
        %select_n3A_894 = arith.select %and3A_892, %add3A_893, %rem3A_884 : i32
        %mul3A_895 = arith.constant 4 : i32
        %mul3A_896 = arith.muli %add3A, %mul3A_895 : i32
        %add3A_897 = arith.addi %mul3A_896, %select_n3A_894 : i32
        %dma_wait3A_898 = arith.constant 0 : i32
        %dma_wait3A_899 = arith.constant 0 : i32
        %dma_wait3A_900 = arith.constant 0 : i32
        %dma_wait3A_901 = tpu.memref_slice %arg10[%dma_wait3A_898, %dma_wait3A_899, %dma_wait3A_900] : memref<8x8x129xf32, #tpu.memory_space<vmem>> -> memref<8x8x128xf32, #tpu.memory_space<vmem>>
        %dma_wait3A_902 = arith.constant 0 : i32
        %dma_wait3A_903 = arith.constant 0 : i32
        %dma_wait3A_904 = arith.constant 0 : i32
        %dma_wait3A_905 = tpu.memref_slice %arg4[%select_n3A_878, %dma_wait3A_902, %add3A_897, %dma_wait3A_903, %dma_wait3A_904] : memref<26x8x128x8x128xf32, #tpu.memory_space<hbm>> -> memref<1x8x1x8x128xf32, #tpu.memory_space<hbm>>
        %dma_wait3A_906 = tpu.memref_squeeze %dma_wait3A_905 : memref<1x8x1x8x128xf32, #tpu.memory_space<hbm>> -> memref<8x8x128xf32, #tpu.memory_space<hbm>>
        %dma_wait3A_907 = arith.constant 0 : i32
        %dma_wait3A_908 = arith.constant 0 : i32
        %dma_wait3A_909 = arith.constant 0 : i32
        %dma_wait3A_910 = tpu.memref_slice %arg4[%select_n3A_878, %dma_wait3A_907, %add3A_897, %dma_wait3A_908, %dma_wait3A_909] : memref<26x8x128x8x128xf32, #tpu.memory_space<hbm>> -> memref<1x8x1x8x128xf32, #tpu.memory_space<hbm>>
        %dma_wait3A_911 = tpu.memref_squeeze %dma_wait3A_910 : memref<1x8x1x8x128xf32, #tpu.memory_space<hbm>> -> memref<8x8x128xf32, #tpu.memory_space<hbm>>
        %dma_wait3A_912 = arith.constant 0 : i32
        %dma_wait3A_913 = arith.constant 0 : i32
        %dma_wait3A_914 = arith.constant 0 : i32
        %dma_wait3A_915 = tpu.memref_slice %arg10[%dma_wait3A_912, %dma_wait3A_913, %dma_wait3A_914] : memref<8x8x129xf32, #tpu.memory_space<vmem>> -> memref<8x8x128xf32, #tpu.memory_space<vmem>>
        tpu.wait_dma2 semaphore(%arg18 : memref<!tpu.dma_semaphore, #tpu.memory_space<semaphore_mem>>) src(%dma_wait3A_915 : memref<8x8x128xf32, #tpu.memory_space<vmem>>) dst(%dma_wait3A_911 : memref<8x8x128xf32, #tpu.memory_space<hbm>>)
      } else {
      }
      %parallel_loop3A = arith.constant 0 : i32
      %parallel_loop3A_410 = arith.constant 128 : i32
      %parallel_loop3A_411 = arith.constant 1 : i32
      scf.for %parallel_loop3A_853 = %parallel_loop3A to %parallel_loop3A_410 step %parallel_loop3A_411  : i32 {
        %parallel_loop3A_854 = vector.broadcast %parallel_loop3A_853 : i32 to vector<16xi32>
        %parallel_loop3A_855 = arith.index_cast %parallel_loop3A_853 : i32 to index
        %parallel_loop3A_856 = arith.constant 0 : index
        %parallel_loop3A_857 = tpu.vector_load %arg6[%parallel_loop3A_855, %parallel_loop3A_856] {strides = array<i32>} : memref<128x64xf32, #tpu.memory_space<vmem>>, vector<16xf32>,
        tpu.vector_store_idx %arg10[%select_n3A, %select_n3A_156, %parallel_loop3A_854], %parallel_loop3A_857 : memref<8x8x129xf32, #tpu.memory_space<vmem>>[vector<16xi32>, vector<16xi32>, vector<16xi32>], vector<16xf32>,
        %parallel_loop3A_858 = arith.index_cast %parallel_loop3A_853 : i32 to index
        %parallel_loop3A_859 = arith.constant 16 : index
        %parallel_loop3A_860 = tpu.vector_load %arg6[%parallel_loop3A_858, %parallel_loop3A_859] {strides = array<i32>} : memref<128x64xf32, #tpu.memory_space<vmem>>, vector<16xf32>,
        tpu.vector_store_idx %arg10[%select_n3A_65, %select_n3A_181, %parallel_loop3A_854], %parallel_loop3A_860 : memref<8x8x129xf32, #tpu.memory_space<vmem>>[vector<16xi32>, vector<16xi32>, vector<16xi32>], vector<16xf32>,
        %parallel_loop3A_861 = arith.index_cast %parallel_loop3A_853 : i32 to index
        %parallel_loop3A_862 = arith.constant 32 : index
        %parallel_loop3A_863 = tpu.vector_load %arg6[%parallel_loop3A_861, %parallel_loop3A_862] {strides = array<i32>} : memref<128x64xf32, #tpu.memory_space<vmem>>, vector<16xf32>,
        tpu.vector_store_idx %arg10[%select_n3A_99, %select_n3A_206, %parallel_loop3A_854], %parallel_loop3A_863 : memref<8x8x129xf32, #tpu.memory_space<vmem>>[vector<16xi32>, vector<16xi32>, vector<16xi32>], vector<16xf32>,
        %parallel_loop3A_864 = arith.index_cast %parallel_loop3A_853 : i32 to index
        %parallel_loop3A_865 = arith.constant 48 : index
        %parallel_loop3A_866 = tpu.vector_load %arg6[%parallel_loop3A_864, %parallel_loop3A_865] {strides = array<i32>} : memref<128x64xf32, #tpu.memory_space<vmem>>, vector<16xf32>,
        tpu.vector_store_idx %arg10[%select_n3A_133, %select_n3A_231, %parallel_loop3A_854], %parallel_loop3A_866 : memref<8x8x129xf32, #tpu.memory_space<vmem>>[vector<16xi32>, vector<16xi32>, vector<16xi32>], vector<16xf32>,
      } {sc.loop_unroll_factor = 4 : i64, sc.parallel_access}
      %jit3A_412 = arith.constant 4 : i32
      %div3A_413 = arith.divsi %add3A_360, %jit3A_412 : i32
      %sign3A_414 = arith.constant 0 : i32
      %sign3A_415 = arith.cmpi sgt, %add3A_360, %sign3A_414 : i32
      %sign3A_416 = arith.extui %sign3A_415 : i1 to i32
      %sign3A_417 = arith.constant 0 : i32
      %sign3A_418 = arith.cmpi slt, %add3A_360, %sign3A_417 : i32
      %sign3A_419 = arith.extui %sign3A_418 : i1 to i32
      %sign3A_420 = arith.subi %sign3A_416, %sign3A_419 : i32
      %sign3A_421 = arith.constant 0 : i32
      %sign3A_422 = arith.cmpi sgt, %jit3A_412, %sign3A_421 : i32
      %sign3A_423 = arith.extui %sign3A_422 : i1 to i32
      %sign3A_424 = arith.constant 0 : i32
      %sign3A_425 = arith.cmpi slt, %jit3A_412, %sign3A_424 : i32
      %sign3A_426 = arith.extui %sign3A_425 : i1 to i32
      %sign3A_427 = arith.subi %sign3A_423, %sign3A_426 : i32
      %ne3A_428 = arith.cmpi ne, %sign3A_420, %sign3A_427 : i32
      %rem3A_429 = arith.remsi %add3A_360, %jit3A_412 : i32
      %ne3A_430 = arith.constant 0 : i32
      %ne3A_431 = arith.cmpi ne, %rem3A_429, %ne3A_430 : i32
      %and3A_432 = arith.andi %ne3A_428, %ne3A_431 : i1
      %sub3A_433 = arith.constant 1 : i32
      %sub3A_434 = arith.subi %div3A_413, %sub3A_433 : i32
      %select_n3A_435 = arith.select %and3A_432, %sub3A_434, %div3A_413 : i32
      %jit3A_436 = arith.constant 4 : i32
      %eq3A_437 = arith.constant 0 : i32
      %eq3A_438 = arith.cmpi eq, %jit3A_436, %eq3A_437 : i32
      %jit3A_439 = arith.constant 1 : i32
      %select_n3A_440 = arith.select %eq3A_438, %jit3A_439, %jit3A_436 : i32
      %rem3A_441 = arith.remsi %add3A_360, %select_n3A_440 : i32
      %ne3A_442 = arith.constant 0 : i32
      %ne3A_443 = arith.cmpi ne, %rem3A_441, %ne3A_442 : i32
      %lt3A_444 = arith.constant 0 : i32
      %lt3A_445 = arith.cmpi slt, %rem3A_441, %lt3A_444 : i32
      %lt3A_446 = arith.constant 0 : i32
      %lt3A_447 = arith.cmpi slt, %select_n3A_440, %lt3A_446 : i32
      %ne3A_448 = arith.xori %lt3A_445, %lt3A_447 : i1
      %and3A_449 = arith.andi %ne3A_448, %ne3A_443 : i1
      %add3A_450 = arith.addi %rem3A_441, %select_n3A_440 : i32
      %select_n3A_451 = arith.select %and3A_449, %add3A_450, %rem3A_441 : i32
      %mul3A_452 = arith.constant 4 : i32
      %mul3A_453 = arith.muli %add3A, %mul3A_452 : i32
      %add3A_454 = arith.addi %mul3A_453, %select_n3A_451 : i32
      %dma_start3A_455 = arith.constant 0 : i32
      %dma_start3A_456 = arith.constant 0 : i32
      %dma_start3A_457 = arith.constant 0 : i32
      %dma_start3A_458 = tpu.memref_slice %arg10[%dma_start3A_455, %dma_start3A_456, %dma_start3A_457] : memref<8x8x129xf32, #tpu.memory_space<vmem>> -> memref<8x8x128xf32, #tpu.memory_space<vmem>>
      %dma_start3A_459 = arith.constant 0 : i32
      %dma_start3A_460 = arith.constant 0 : i32
      %dma_start3A_461 = arith.constant 0 : i32
      %dma_start3A_462 = tpu.memref_slice %arg4[%select_n3A_435, %dma_start3A_459, %add3A_454, %dma_start3A_460, %dma_start3A_461] : memref<26x8x128x8x128xf32, #tpu.memory_space<hbm>> -> memref<1x8x1x8x128xf32, #tpu.memory_space<hbm>>
      %dma_start3A_463 = tpu.memref_squeeze %dma_start3A_462 : memref<1x8x1x8x128xf32, #tpu.memory_space<hbm>> -> memref<8x8x128xf32, #tpu.memory_space<hbm>>
      %dma_start3A_464 = arith.constant 0 : i32
      %dma_start3A_465 = arith.constant 0 : i32
      %dma_start3A_466 = arith.constant 0 : i32
      %dma_start3A_467 = tpu.memref_slice %arg4[%select_n3A_435, %dma_start3A_464, %add3A_454, %dma_start3A_465, %dma_start3A_466] : memref<26x8x128x8x128xf32, #tpu.memory_space<hbm>> -> memref<1x8x1x8x128xf32, #tpu.memory_space<hbm>>
      %dma_start3A_468 = tpu.memref_squeeze %dma_start3A_467 : memref<1x8x1x8x128xf32, #tpu.memory_space<hbm>> -> memref<8x8x128xf32, #tpu.memory_space<hbm>>
      %dma_start3A_469 = arith.constant 0 : i32
      %dma_start3A_470 = arith.constant 0 : i32
      %dma_start3A_471 = arith.constant 0 : i32
      %dma_start3A_472 = tpu.memref_slice %arg10[%dma_start3A_469, %dma_start3A_470, %dma_start3A_471] : memref<8x8x129xf32, #tpu.memory_space<vmem>> -> memref<8x8x128xf32, #tpu.memory_space<vmem>>
      tpu.enqueue_dma source(%dma_start3A_472 : memref<8x8x128xf32, #tpu.memory_space<vmem>>) target(%dma_start3A_468 : memref<8x8x128xf32, #tpu.memory_space<hbm>>) target_semaphore(%arg18 : memref<!tpu.dma_semaphore, #tpu.memory_space<semaphore_mem>>)
      %lt3A_473 = arith.constant 25 : i32
      %lt3A_474 = arith.cmpi slt, %scan3A_356, %lt3A_473 : i32
      %convert_element_type3A_475 = arith.extui %lt3A_474 : i1 to i32
      %cond3A_476 = arith.constant 0 : i32
      %cond3A_477 = arith.cmpi ne, %convert_element_type3A_475, %cond3A_476 : i32
      scf.if %cond3A_477 {
        %add3A_853 = arith.constant 4 : i32
        %add3A_854 = arith.addi %add3A_360, %add3A_853 : i32
        %jit3A_855 = arith.constant 4 : i32
        %div3A_856 = arith.divsi %add3A_854, %jit3A_855 : i32
        %sign3A_857 = arith.constant 0 : i32
        %sign3A_858 = arith.cmpi sgt, %add3A_854, %sign3A_857 : i32
        %sign3A_859 = arith.extui %sign3A_858 : i1 to i32
        %sign3A_860 = arith.constant 0 : i32
        %sign3A_861 = arith.cmpi slt, %add3A_854, %sign3A_860 : i32
        %sign3A_862 = arith.extui %sign3A_861 : i1 to i32
        %sign3A_863 = arith.subi %sign3A_859, %sign3A_862 : i32
        %sign3A_864 = arith.constant 0 : i32
        %sign3A_865 = arith.cmpi sgt, %jit3A_855, %sign3A_864 : i32
        %sign3A_866 = arith.extui %sign3A_865 : i1 to i32
        %sign3A_867 = arith.constant 0 : i32
        %sign3A_868 = arith.cmpi slt, %jit3A_855, %sign3A_867 : i32
        %sign3A_869 = arith.extui %sign3A_868 : i1 to i32
        %sign3A_870 = arith.subi %sign3A_866, %sign3A_869 : i32
        %ne3A_871 = arith.cmpi ne, %sign3A_863, %sign3A_870 : i32
        %rem3A_872 = arith.remsi %add3A_854, %jit3A_855 : i32
        %ne3A_873 = arith.constant 0 : i32
        %ne3A_874 = arith.cmpi ne, %rem3A_872, %ne3A_873 : i32
        %and3A_875 = arith.andi %ne3A_871, %ne3A_874 : i1
        %sub3A_876 = arith.constant 1 : i32
        %sub3A_877 = arith.subi %div3A_856, %sub3A_876 : i32
        %select_n3A_878 = arith.select %and3A_875, %sub3A_877, %div3A_856 : i32
        %jit3A_879 = arith.constant 4 : i32
        %eq3A_880 = arith.constant 0 : i32
        %eq3A_881 = arith.cmpi eq, %jit3A_879, %eq3A_880 : i32
        %jit3A_882 = arith.constant 1 : i32
        %select_n3A_883 = arith.select %eq3A_881, %jit3A_882, %jit3A_879 : i32
        %rem3A_884 = arith.remsi %add3A_854, %select_n3A_883 : i32
        %ne3A_885 = arith.constant 0 : i32
        %ne3A_886 = arith.cmpi ne, %rem3A_884, %ne3A_885 : i32
        %lt3A_887 = arith.constant 0 : i32
        %lt3A_888 = arith.cmpi slt, %rem3A_884, %lt3A_887 : i32
        %lt3A_889 = arith.constant 0 : i32
        %lt3A_890 = arith.cmpi slt, %select_n3A_883, %lt3A_889 : i32
        %ne3A_891 = arith.xori %lt3A_888, %lt3A_890 : i1
        %and3A_892 = arith.andi %ne3A_891, %ne3A_886 : i1
        %add3A_893 = arith.addi %rem3A_884, %select_n3A_883 : i32
        %select_n3A_894 = arith.select %and3A_892, %add3A_893, %rem3A_884 : i32
        %mul3A_895 = arith.constant 128 : i32
        %mul3A_896 = arith.muli %select_n3A_894, %mul3A_895 : i32
        %dma_start3A_897 = tpu.memref_slice %arg5[%select_n3A_878, %mul3A_896] : memref<26x512xi32, #tpu.memory_space<vmem>> -> memref<1x128xi32, #tpu.memory_space<vmem>>
        %dma_start3A_898 = tpu.memref_squeeze %dma_start3A_897 : memref<1x128xi32, #tpu.memory_space<vmem>> -> memref<128xi32, #tpu.memory_space<vmem>>
        %dma_start3A_899 = arith.constant 0 : i32
        %dma_start3A_900 = arith.constant 0 : i32
        %dma_start3A_901 = tpu.memref_slice %arg3[%dma_start3A_899, %dma_start3A_900] : memref<1000000x64xf32, #tpu.memory_space<hbm>> -> memref<1000000x64xf32, #tpu.memory_space<hbm>>
        tpu.enqueue_indirect_dma source(%dma_start3A_901 : memref<1000000x64xf32, #tpu.memory_space<hbm>>) target(%arg6 : memref<128x64xf32, #tpu.memory_space<vmem>>) offsets(%dma_start3A_898 : memref<128xi32, #tpu.memory_space<vmem>>) semaphore(%arg14 : memref<!tpu.dma_semaphore, #tpu.memory_space<semaphore_mem>>)
      } else {
      }
      %mul3A_478 = arith.constant 4 : i32
      %mul3A_479 = arith.muli %mul3A_478, %scan3A_356 : i32
      %add3A_480 = arith.constant 1 : i32
      %add3A_481 = arith.addi %mul3A_479, %add3A_480 : i32
      %jit3A_482 = arith.constant 4 : i32
      %div3A_483 = arith.divsi %add3A_481, %jit3A_482 : i32
      %sign3A_484 = arith.constant 0 : i32
      %sign3A_485 = arith.cmpi sgt, %add3A_481, %sign3A_484 : i32
      %sign3A_486 = arith.extui %sign3A_485 : i1 to i32
      %sign3A_487 = arith.constant 0 : i32
      %sign3A_488 = arith.cmpi slt, %add3A_481, %sign3A_487 : i32
      %sign3A_489 = arith.extui %sign3A_488 : i1 to i32
      %sign3A_490 = arith.subi %sign3A_486, %sign3A_489 : i32
      %sign3A_491 = arith.constant 0 : i32
      %sign3A_492 = arith.cmpi sgt, %jit3A_482, %sign3A_491 : i32
      %sign3A_493 = arith.extui %sign3A_492 : i1 to i32
      %sign3A_494 = arith.constant 0 : i32
      %sign3A_495 = arith.cmpi slt, %jit3A_482, %sign3A_494 : i32
      %sign3A_496 = arith.extui %sign3A_495 : i1 to i32
      %sign3A_497 = arith.subi %sign3A_493, %sign3A_496 : i32
      %ne3A_498 = arith.cmpi ne, %sign3A_490, %sign3A_497 : i32
      %rem3A_499 = arith.remsi %add3A_481, %jit3A_482 : i32
      %ne3A_500 = arith.constant 0 : i32
      %ne3A_501 = arith.cmpi ne, %rem3A_499, %ne3A_500 : i32
      %and3A_502 = arith.andi %ne3A_498, %ne3A_501 : i1
      %sub3A_503 = arith.constant 1 : i32
      %sub3A_504 = arith.subi %div3A_483, %sub3A_503 : i32
      %select_n3A_505 = arith.select %and3A_502, %sub3A_504, %div3A_483 : i32
      %jit3A_506 = arith.constant 4 : i32
      %eq3A_507 = arith.constant 0 : i32
      %eq3A_508 = arith.cmpi eq, %jit3A_506, %eq3A_507 : i32
      %jit3A_509 = arith.constant 1 : i32
      %select_n3A_510 = arith.select %eq3A_508, %jit3A_509, %jit3A_506 : i32
      %rem3A_511 = arith.remsi %add3A_481, %select_n3A_510 : i32
      %ne3A_512 = arith.constant 0 : i32
      %ne3A_513 = arith.cmpi ne, %rem3A_511, %ne3A_512 : i32
      %lt3A_514 = arith.constant 0 : i32
      %lt3A_515 = arith.cmpi slt, %rem3A_511, %lt3A_514 : i32
      %lt3A_516 = arith.constant 0 : i32
      %lt3A_517 = arith.cmpi slt, %select_n3A_510, %lt3A_516 : i32
      %ne3A_518 = arith.xori %lt3A_515, %lt3A_517 : i1
      %and3A_519 = arith.andi %ne3A_518, %ne3A_513 : i1
      %add3A_520 = arith.addi %rem3A_511, %select_n3A_510 : i32
      %select_n3A_521 = arith.select %and3A_519, %add3A_520, %rem3A_511 : i32
      %mul3A_522 = arith.constant 128 : i32
      %mul3A_523 = arith.muli %select_n3A_521, %mul3A_522 : i32
      %dma_wait3A_524 = tpu.memref_slice %arg5[%select_n3A_505, %mul3A_523] : memref<26x512xi32, #tpu.memory_space<vmem>> -> memref<1x128xi32, #tpu.memory_space<vmem>>
      %dma_wait3A_525 = tpu.memref_squeeze %dma_wait3A_524 : memref<1x128xi32, #tpu.memory_space<vmem>> -> memref<128xi32, #tpu.memory_space<vmem>>
      %dma_wait3A_526 = arith.constant 0 : i32
      %dma_wait3A_527 = arith.constant 0 : i32
      %dma_wait3A_528 = tpu.memref_slice %arg3[%dma_wait3A_526, %dma_wait3A_527] : memref<1000000x64xf32, #tpu.memory_space<hbm>> -> memref<1000000x64xf32, #tpu.memory_space<hbm>>
      tpu.wait_indirect_dma semaphore(%arg15 : memref<!tpu.dma_semaphore, #tpu.memory_space<semaphore_mem>>) src(%dma_wait3A_528 : memref<1000000x64xf32, #tpu.memory_space<hbm>>) dst(%arg7 : memref<128x64xf32, #tpu.memory_space<vmem>>)
      %ge3A_529 = arith.constant 1 : i32
      %ge3A_530 = arith.cmpi sge, %scan3A_356, %ge3A_529 : i32
      %convert_element_type3A_531 = arith.extui %ge3A_530 : i1 to i32
      %cond3A_532 = arith.constant 0 : i32
      %cond3A_533 = arith.cmpi ne, %convert_element_type3A_531, %cond3A_532 : i32
      scf.if %cond3A_533 {
        %sub3A_853 = arith.constant 4 : i32
        %sub3A_854 = arith.subi %add3A_481, %sub3A_853 : i32
        %jit3A_855 = arith.constant 4 : i32
        %div3A_856 = arith.divsi %sub3A_854, %jit3A_855 : i32
        %sign3A_857 = arith.constant 0 : i32
        %sign3A_858 = arith.cmpi sgt, %sub3A_854, %sign3A_857 : i32
        %sign3A_859 = arith.extui %sign3A_858 : i1 to i32
        %sign3A_860 = arith.constant 0 : i32
        %sign3A_861 = arith.cmpi slt, %sub3A_854, %sign3A_860 : i32
        %sign3A_862 = arith.extui %sign3A_861 : i1 to i32
        %sign3A_863 = arith.subi %sign3A_859, %sign3A_862 : i32
        %sign3A_864 = arith.constant 0 : i32
        %sign3A_865 = arith.cmpi sgt, %jit3A_855, %sign3A_864 : i32
        %sign3A_866 = arith.extui %sign3A_865 : i1 to i32
        %sign3A_867 = arith.constant 0 : i32
        %sign3A_868 = arith.cmpi slt, %jit3A_855, %sign3A_867 : i32
        %sign3A_869 = arith.extui %sign3A_868 : i1 to i32
        %sign3A_870 = arith.subi %sign3A_866, %sign3A_869 : i32
        %ne3A_871 = arith.cmpi ne, %sign3A_863, %sign3A_870 : i32
        %rem3A_872 = arith.remsi %sub3A_854, %jit3A_855 : i32
        %ne3A_873 = arith.constant 0 : i32
        %ne3A_874 = arith.cmpi ne, %rem3A_872, %ne3A_873 : i32
        %and3A_875 = arith.andi %ne3A_871, %ne3A_874 : i1
        %sub3A_876 = arith.constant 1 : i32
        %sub3A_877 = arith.subi %div3A_856, %sub3A_876 : i32
        %select_n3A_878 = arith.select %and3A_875, %sub3A_877, %div3A_856 : i32
        %jit3A_879 = arith.constant 4 : i32
        %eq3A_880 = arith.constant 0 : i32
        %eq3A_881 = arith.cmpi eq, %jit3A_879, %eq3A_880 : i32
        %jit3A_882 = arith.constant 1 : i32
        %select_n3A_883 = arith.select %eq3A_881, %jit3A_882, %jit3A_879 : i32
        %rem3A_884 = arith.remsi %sub3A_854, %select_n3A_883 : i32
        %ne3A_885 = arith.constant 0 : i32
        %ne3A_886 = arith.cmpi ne, %rem3A_884, %ne3A_885 : i32
        %lt3A_887 = arith.constant 0 : i32
        %lt3A_888 = arith.cmpi slt, %rem3A_884, %lt3A_887 : i32
        %lt3A_889 = arith.constant 0 : i32
        %lt3A_890 = arith.cmpi slt, %select_n3A_883, %lt3A_889 : i32
        %ne3A_891 = arith.xori %lt3A_888, %lt3A_890 : i1
        %and3A_892 = arith.andi %ne3A_891, %ne3A_886 : i1
        %add3A_893 = arith.addi %rem3A_884, %select_n3A_883 : i32
        %select_n3A_894 = arith.select %and3A_892, %add3A_893, %rem3A_884 : i32
        %mul3A_895 = arith.constant 4 : i32
        %mul3A_896 = arith.muli %add3A, %mul3A_895 : i32
        %add3A_897 = arith.addi %mul3A_896, %select_n3A_894 : i32
        %dma_wait3A_898 = arith.constant 0 : i32
        %dma_wait3A_899 = arith.constant 0 : i32
        %dma_wait3A_900 = arith.constant 0 : i32
        %dma_wait3A_901 = tpu.memref_slice %arg11[%dma_wait3A_898, %dma_wait3A_899, %dma_wait3A_900] : memref<8x8x129xf32, #tpu.memory_space<vmem>> -> memref<8x8x128xf32, #tpu.memory_space<vmem>>
        %dma_wait3A_902 = arith.constant 0 : i32
        %dma_wait3A_903 = arith.constant 0 : i32
        %dma_wait3A_904 = arith.constant 0 : i32
        %dma_wait3A_905 = tpu.memref_slice %arg4[%select_n3A_878, %dma_wait3A_902, %add3A_897, %dma_wait3A_903, %dma_wait3A_904] : memref<26x8x128x8x128xf32, #tpu.memory_space<hbm>> -> memref<1x8x1x8x128xf32, #tpu.memory_space<hbm>>
        %dma_wait3A_906 = tpu.memref_squeeze %dma_wait3A_905 : memref<1x8x1x8x128xf32, #tpu.memory_space<hbm>> -> memref<8x8x128xf32, #tpu.memory_space<hbm>>
        %dma_wait3A_907 = arith.constant 0 : i32
        %dma_wait3A_908 = arith.constant 0 : i32
        %dma_wait3A_909 = arith.constant 0 : i32
        %dma_wait3A_910 = tpu.memref_slice %arg4[%select_n3A_878, %dma_wait3A_907, %add3A_897, %dma_wait3A_908, %dma_wait3A_909] : memref<26x8x128x8x128xf32, #tpu.memory_space<hbm>> -> memref<1x8x1x8x128xf32, #tpu.memory_space<hbm>>
        %dma_wait3A_911 = tpu.memref_squeeze %dma_wait3A_910 : memref<1x8x1x8x128xf32, #tpu.memory_space<hbm>> -> memref<8x8x128xf32, #tpu.memory_space<hbm>>
        %dma_wait3A_912 = arith.constant 0 : i32
        %dma_wait3A_913 = arith.constant 0 : i32
        %dma_wait3A_914 = arith.constant 0 : i32
        %dma_wait3A_915 = tpu.memref_slice %arg11[%dma_wait3A_912, %dma_wait3A_913, %dma_wait3A_914] : memref<8x8x129xf32, #tpu.memory_space<vmem>> -> memref<8x8x128xf32, #tpu.memory_space<vmem>>
        tpu.wait_dma2 semaphore(%arg19 : memref<!tpu.dma_semaphore, #tpu.memory_space<semaphore_mem>>) src(%dma_wait3A_915 : memref<8x8x128xf32, #tpu.memory_space<vmem>>) dst(%dma_wait3A_911 : memref<8x8x128xf32, #tpu.memory_space<hbm>>)
      } else {
      }
      %parallel_loop3A_534 = arith.constant 0 : i32
      %parallel_loop3A_535 = arith.constant 128 : i32
      %parallel_loop3A_536 = arith.constant 1 : i32
      scf.for %parallel_loop3A_853 = %parallel_loop3A_534 to %parallel_loop3A_535 step %parallel_loop3A_536  : i32 {
        %parallel_loop3A_854 = vector.broadcast %parallel_loop3A_853 : i32 to vector<16xi32>
        %parallel_loop3A_855 = arith.index_cast %parallel_loop3A_853 : i32 to index
        %parallel_loop3A_856 = arith.constant 0 : index
        %parallel_loop3A_857 = tpu.vector_load %arg7[%parallel_loop3A_855, %parallel_loop3A_856] {strides = array<i32>} : memref<128x64xf32, #tpu.memory_space<vmem>>, vector<16xf32>,
        tpu.vector_store_idx %arg11[%select_n3A, %select_n3A_156, %parallel_loop3A_854], %parallel_loop3A_857 : memref<8x8x129xf32, #tpu.memory_space<vmem>>[vector<16xi32>, vector<16xi32>, vector<16xi32>], vector<16xf32>,
        %parallel_loop3A_858 = arith.index_cast %parallel_loop3A_853 : i32 to index
        %parallel_loop3A_859 = arith.constant 16 : index
        %parallel_loop3A_860 = tpu.vector_load %arg7[%parallel_loop3A_858, %parallel_loop3A_859] {strides = array<i32>} : memref<128x64xf32, #tpu.memory_space<vmem>>, vector<16xf32>,
        tpu.vector_store_idx %arg11[%select_n3A_65, %select_n3A_181, %parallel_loop3A_854], %parallel_loop3A_860 : memref<8x8x129xf32, #tpu.memory_space<vmem>>[vector<16xi32>, vector<16xi32>, vector<16xi32>], vector<16xf32>,
        %parallel_loop3A_861 = arith.index_cast %parallel_loop3A_853 : i32 to index
        %parallel_loop3A_862 = arith.constant 32 : index
        %parallel_loop3A_863 = tpu.vector_load %arg7[%parallel_loop3A_861, %parallel_loop3A_862] {strides = array<i32>} : memref<128x64xf32, #tpu.memory_space<vmem>>, vector<16xf32>,
        tpu.vector_store_idx %arg11[%select_n3A_99, %select_n3A_206, %parallel_loop3A_854], %parallel_loop3A_863 : memref<8x8x129xf32, #tpu.memory_space<vmem>>[vector<16xi32>, vector<16xi32>, vector<16xi32>], vector<16xf32>,
        %parallel_loop3A_864 = arith.index_cast %parallel_loop3A_853 : i32 to index
        %parallel_loop3A_865 = arith.constant 48 : index
        %parallel_loop3A_866 = tpu.vector_load %arg7[%parallel_loop3A_864, %parallel_loop3A_865] {strides = array<i32>} : memref<128x64xf32, #tpu.memory_space<vmem>>, vector<16xf32>,
        tpu.vector_store_idx %arg11[%select_n3A_133, %select_n3A_231, %parallel_loop3A_854], %parallel_loop3A_866 : memref<8x8x129xf32, #tpu.memory_space<vmem>>[vector<16xi32>, vector<16xi32>, vector<16xi32>], vector<16xf32>,
      } {sc.loop_unroll_factor = 4 : i64, sc.parallel_access}
      %jit3A_537 = arith.constant 4 : i32
      %div3A_538 = arith.divsi %add3A_481, %jit3A_537 : i32
      %sign3A_539 = arith.constant 0 : i32
      %sign3A_540 = arith.cmpi sgt, %add3A_481, %sign3A_539 : i32
      %sign3A_541 = arith.extui %sign3A_540 : i1 to i32
      %sign3A_542 = arith.constant 0 : i32
      %sign3A_543 = arith.cmpi slt, %add3A_481, %sign3A_542 : i32
      %sign3A_544 = arith.extui %sign3A_543 : i1 to i32
      %sign3A_545 = arith.subi %sign3A_541, %sign3A_544 : i32
      %sign3A_546 = arith.constant 0 : i32
      %sign3A_547 = arith.cmpi sgt, %jit3A_537, %sign3A_546 : i32
      %sign3A_548 = arith.extui %sign3A_547 : i1 to i32
      %sign3A_549 = arith.constant 0 : i32
      %sign3A_550 = arith.cmpi slt, %jit3A_537, %sign3A_549 : i32
      %sign3A_551 = arith.extui %sign3A_550 : i1 to i32
      %sign3A_552 = arith.subi %sign3A_548, %sign3A_551 : i32
      %ne3A_553 = arith.cmpi ne, %sign3A_545, %sign3A_552 : i32
      %rem3A_554 = arith.remsi %add3A_481, %jit3A_537 : i32
      %ne3A_555 = arith.constant 0 : i32
      %ne3A_556 = arith.cmpi ne, %rem3A_554, %ne3A_555 : i32
      %and3A_557 = arith.andi %ne3A_553, %ne3A_556 : i1
      %sub3A_558 = arith.constant 1 : i32
      %sub3A_559 = arith.subi %div3A_538, %sub3A_558 : i32
      %select_n3A_560 = arith.select %and3A_557, %sub3A_559, %div3A_538 : i32
      %jit3A_561 = arith.constant 4 : i32
      %eq3A_562 = arith.constant 0 : i32
      %eq3A_563 = arith.cmpi eq, %jit3A_561, %eq3A_562 : i32
      %jit3A_564 = arith.constant 1 : i32
      %select_n3A_565 = arith.select %eq3A_563, %jit3A_564, %jit3A_561 : i32
      %rem3A_566 = arith.remsi %add3A_481, %select_n3A_565 : i32
      %ne3A_567 = arith.constant 0 : i32
      %ne3A_568 = arith.cmpi ne, %rem3A_566, %ne3A_567 : i32
      %lt3A_569 = arith.constant 0 : i32
      %lt3A_570 = arith.cmpi slt, %rem3A_566, %lt3A_569 : i32
      %lt3A_571 = arith.constant 0 : i32
      %lt3A_572 = arith.cmpi slt, %select_n3A_565, %lt3A_571 : i32
      %ne3A_573 = arith.xori %lt3A_570, %lt3A_572 : i1
      %and3A_574 = arith.andi %ne3A_573, %ne3A_568 : i1
      %add3A_575 = arith.addi %rem3A_566, %select_n3A_565 : i32
      %select_n3A_576 = arith.select %and3A_574, %add3A_575, %rem3A_566 : i32
      %mul3A_577 = arith.constant 4 : i32
      %mul3A_578 = arith.muli %add3A, %mul3A_577 : i32
      %add3A_579 = arith.addi %mul3A_578, %select_n3A_576 : i32
      %dma_start3A_580 = arith.constant 0 : i32
      %dma_start3A_581 = arith.constant 0 : i32
      %dma_start3A_582 = arith.constant 0 : i32
      %dma_start3A_583 = tpu.memref_slice %arg11[%dma_start3A_580, %dma_start3A_581, %dma_start3A_582] : memref<8x8x129xf32, #tpu.memory_space<vmem>> -> memref<8x8x128xf32, #tpu.memory_space<vmem>>
      %dma_start3A_584 = arith.constant 0 : i32
      %dma_start3A_585 = arith.constant 0 : i32
      %dma_start3A_586 = arith.constant 0 : i32
      %dma_start3A_587 = tpu.memref_slice %arg4[%select_n3A_560, %dma_start3A_584, %add3A_579, %dma_start3A_585, %dma_start3A_586] : memref<26x8x128x8x128xf32, #tpu.memory_space<hbm>> -> memref<1x8x1x8x128xf32, #tpu.memory_space<hbm>>
      %dma_start3A_588 = tpu.memref_squeeze %dma_start3A_587 : memref<1x8x1x8x128xf32, #tpu.memory_space<hbm>> -> memref<8x8x128xf32, #tpu.memory_space<hbm>>
      %dma_start3A_589 = arith.constant 0 : i32
      %dma_start3A_590 = arith.constant 0 : i32
      %dma_start3A_591 = arith.constant 0 : i32
      %dma_start3A_592 = tpu.memref_slice %arg4[%select_n3A_560, %dma_start3A_589, %add3A_579, %dma_start3A_590, %dma_start3A_591] : memref<26x8x128x8x128xf32, #tpu.memory_space<hbm>> -> memref<1x8x1x8x128xf32, #tpu.memory_space<hbm>>
      %dma_start3A_593 = tpu.memref_squeeze %dma_start3A_592 : memref<1x8x1x8x128xf32, #tpu.memory_space<hbm>> -> memref<8x8x128xf32, #tpu.memory_space<hbm>>
      %dma_start3A_594 = arith.constant 0 : i32
      %dma_start3A_595 = arith.constant 0 : i32
      %dma_start3A_596 = arith.constant 0 : i32
      %dma_start3A_597 = tpu.memref_slice %arg11[%dma_start3A_594, %dma_start3A_595, %dma_start3A_596] : memref<8x8x129xf32, #tpu.memory_space<vmem>> -> memref<8x8x128xf32, #tpu.memory_space<vmem>>
      tpu.enqueue_dma source(%dma_start3A_597 : memref<8x8x128xf32, #tpu.memory_space<vmem>>) target(%dma_start3A_593 : memref<8x8x128xf32, #tpu.memory_space<hbm>>) target_semaphore(%arg19 : memref<!tpu.dma_semaphore, #tpu.memory_space<semaphore_mem>>)
      %lt3A_598 = arith.constant 25 : i32
      %lt3A_599 = arith.cmpi slt, %scan3A_356, %lt3A_598 : i32
      %convert_element_type3A_600 = arith.extui %lt3A_599 : i1 to i32
      %cond3A_601 = arith.constant 0 : i32
      %cond3A_602 = arith.cmpi ne, %convert_element_type3A_600, %cond3A_601 : i32
      scf.if %cond3A_602 {
        %add3A_853 = arith.constant 4 : i32
        %add3A_854 = arith.addi %add3A_481, %add3A_853 : i32
        %jit3A_855 = arith.constant 4 : i32
        %div3A_856 = arith.divsi %add3A_854, %jit3A_855 : i32
        %sign3A_857 = arith.constant 0 : i32
        %sign3A_858 = arith.cmpi sgt, %add3A_854, %sign3A_857 : i32
        %sign3A_859 = arith.extui %sign3A_858 : i1 to i32
        %sign3A_860 = arith.constant 0 : i32
        %sign3A_861 = arith.cmpi slt, %add3A_854, %sign3A_860 : i32
        %sign3A_862 = arith.extui %sign3A_861 : i1 to i32
        %sign3A_863 = arith.subi %sign3A_859, %sign3A_862 : i32
        %sign3A_864 = arith.constant 0 : i32
        %sign3A_865 = arith.cmpi sgt, %jit3A_855, %sign3A_864 : i32
        %sign3A_866 = arith.extui %sign3A_865 : i1 to i32
        %sign3A_867 = arith.constant 0 : i32
        %sign3A_868 = arith.cmpi slt, %jit3A_855, %sign3A_867 : i32
        %sign3A_869 = arith.extui %sign3A_868 : i1 to i32
        %sign3A_870 = arith.subi %sign3A_866, %sign3A_869 : i32
        %ne3A_871 = arith.cmpi ne, %sign3A_863, %sign3A_870 : i32
        %rem3A_872 = arith.remsi %add3A_854, %jit3A_855 : i32
        %ne3A_873 = arith.constant 0 : i32
        %ne3A_874 = arith.cmpi ne, %rem3A_872, %ne3A_873 : i32
        %and3A_875 = arith.andi %ne3A_871, %ne3A_874 : i1
        %sub3A_876 = arith.constant 1 : i32
        %sub3A_877 = arith.subi %div3A_856, %sub3A_876 : i32
        %select_n3A_878 = arith.select %and3A_875, %sub3A_877, %div3A_856 : i32
        %jit3A_879 = arith.constant 4 : i32
        %eq3A_880 = arith.constant 0 : i32
        %eq3A_881 = arith.cmpi eq, %jit3A_879, %eq3A_880 : i32
        %jit3A_882 = arith.constant 1 : i32
        %select_n3A_883 = arith.select %eq3A_881, %jit3A_882, %jit3A_879 : i32
        %rem3A_884 = arith.remsi %add3A_854, %select_n3A_883 : i32
        %ne3A_885 = arith.constant 0 : i32
        %ne3A_886 = arith.cmpi ne, %rem3A_884, %ne3A_885 : i32
        %lt3A_887 = arith.constant 0 : i32
        %lt3A_888 = arith.cmpi slt, %rem3A_884, %lt3A_887 : i32
        %lt3A_889 = arith.constant 0 : i32
        %lt3A_890 = arith.cmpi slt, %select_n3A_883, %lt3A_889 : i32
        %ne3A_891 = arith.xori %lt3A_888, %lt3A_890 : i1
        %and3A_892 = arith.andi %ne3A_891, %ne3A_886 : i1
        %add3A_893 = arith.addi %rem3A_884, %select_n3A_883 : i32
        %select_n3A_894 = arith.select %and3A_892, %add3A_893, %rem3A_884 : i32
        %mul3A_895 = arith.constant 128 : i32
        %mul3A_896 = arith.muli %select_n3A_894, %mul3A_895 : i32
        %dma_start3A_897 = tpu.memref_slice %arg5[%select_n3A_878, %mul3A_896] : memref<26x512xi32, #tpu.memory_space<vmem>> -> memref<1x128xi32, #tpu.memory_space<vmem>>
        %dma_start3A_898 = tpu.memref_squeeze %dma_start3A_897 : memref<1x128xi32, #tpu.memory_space<vmem>> -> memref<128xi32, #tpu.memory_space<vmem>>
        %dma_start3A_899 = arith.constant 0 : i32
        %dma_start3A_900 = arith.constant 0 : i32
        %dma_start3A_901 = tpu.memref_slice %arg3[%dma_start3A_899, %dma_start3A_900] : memref<1000000x64xf32, #tpu.memory_space<hbm>> -> memref<1000000x64xf32, #tpu.memory_space<hbm>>
        tpu.enqueue_indirect_dma source(%dma_start3A_901 : memref<1000000x64xf32, #tpu.memory_space<hbm>>) target(%arg7 : memref<128x64xf32, #tpu.memory_space<vmem>>) offsets(%dma_start3A_898 : memref<128xi32, #tpu.memory_space<vmem>>) semaphore(%arg15 : memref<!tpu.dma_semaphore, #tpu.memory_space<semaphore_mem>>)
      } else {
      }
      %mul3A_603 = arith.constant 4 : i32
      %mul3A_604 = arith.muli %mul3A_603, %scan3A_356 : i32
      %add3A_605 = arith.constant 2 : i32
      %add3A_606 = arith.addi %mul3A_604, %add3A_605 : i32
      %jit3A_607 = arith.constant 4 : i32
      %div3A_608 = arith.divsi %add3A_606, %jit3A_607 : i32
      %sign3A_609 = arith.constant 0 : i32
      %sign3A_610 = arith.cmpi sgt, %add3A_606, %sign3A_609 : i32
      %sign3A_611 = arith.extui %sign3A_610 : i1 to i32
      %sign3A_612 = arith.constant 0 : i32
      %sign3A_613 = arith.cmpi slt, %add3A_606, %sign3A_612 : i32
      %sign3A_614 = arith.extui %sign3A_613 : i1 to i32
      %sign3A_615 = arith.subi %sign3A_611, %sign3A_614 : i32
      %sign3A_616 = arith.constant 0 : i32
      %sign3A_617 = arith.cmpi sgt, %jit3A_607, %sign3A_616 : i32
      %sign3A_618 = arith.extui %sign3A_617 : i1 to i32
      %sign3A_619 = arith.constant 0 : i32
      %sign3A_620 = arith.cmpi slt, %jit3A_607, %sign3A_619 : i32
      %sign3A_621 = arith.extui %sign3A_620 : i1 to i32
      %sign3A_622 = arith.subi %sign3A_618, %sign3A_621 : i32
      %ne3A_623 = arith.cmpi ne, %sign3A_615, %sign3A_622 : i32
      %rem3A_624 = arith.remsi %add3A_606, %jit3A_607 : i32
      %ne3A_625 = arith.constant 0 : i32
      %ne3A_626 = arith.cmpi ne, %rem3A_624, %ne3A_625 : i32
      %and3A_627 = arith.andi %ne3A_623, %ne3A_626 : i1
      %sub3A_628 = arith.constant 1 : i32
      %sub3A_629 = arith.subi %div3A_608, %sub3A_628 : i32
      %select_n3A_630 = arith.select %and3A_627, %sub3A_629, %div3A_608 : i32
      %jit3A_631 = arith.constant 4 : i32
      %eq3A_632 = arith.constant 0 : i32
      %eq3A_633 = arith.cmpi eq, %jit3A_631, %eq3A_632 : i32
      %jit3A_634 = arith.constant 1 : i32
      %select_n3A_635 = arith.select %eq3A_633, %jit3A_634, %jit3A_631 : i32
      %rem3A_636 = arith.remsi %add3A_606, %select_n3A_635 : i32
      %ne3A_637 = arith.constant 0 : i32
      %ne3A_638 = arith.cmpi ne, %rem3A_636, %ne3A_637 : i32
      %lt3A_639 = arith.constant 0 : i32
      %lt3A_640 = arith.cmpi slt, %rem3A_636, %lt3A_639 : i32
      %lt3A_641 = arith.constant 0 : i32
      %lt3A_642 = arith.cmpi slt, %select_n3A_635, %lt3A_641 : i32
      %ne3A_643 = arith.xori %lt3A_640, %lt3A_642 : i1
      %and3A_644 = arith.andi %ne3A_643, %ne3A_638 : i1
      %add3A_645 = arith.addi %rem3A_636, %select_n3A_635 : i32
      %select_n3A_646 = arith.select %and3A_644, %add3A_645, %rem3A_636 : i32
      %mul3A_647 = arith.constant 128 : i32
      %mul3A_648 = arith.muli %select_n3A_646, %mul3A_647 : i32
      %dma_wait3A_649 = tpu.memref_slice %arg5[%select_n3A_630, %mul3A_648] : memref<26x512xi32, #tpu.memory_space<vmem>> -> memref<1x128xi32, #tpu.memory_space<vmem>>
      %dma_wait3A_650 = tpu.memref_squeeze %dma_wait3A_649 : memref<1x128xi32, #tpu.memory_space<vmem>> -> memref<128xi32, #tpu.memory_space<vmem>>
      %dma_wait3A_651 = arith.constant 0 : i32
      %dma_wait3A_652 = arith.constant 0 : i32
      %dma_wait3A_653 = tpu.memref_slice %arg3[%dma_wait3A_651, %dma_wait3A_652] : memref<1000000x64xf32, #tpu.memory_space<hbm>> -> memref<1000000x64xf32, #tpu.memory_space<hbm>>
      tpu.wait_indirect_dma semaphore(%arg16 : memref<!tpu.dma_semaphore, #tpu.memory_space<semaphore_mem>>) src(%dma_wait3A_653 : memref<1000000x64xf32, #tpu.memory_space<hbm>>) dst(%arg8 : memref<128x64xf32, #tpu.memory_space<vmem>>)
      %ge3A_654 = arith.constant 1 : i32
      %ge3A_655 = arith.cmpi sge, %scan3A_356, %ge3A_654 : i32
      %convert_element_type3A_656 = arith.extui %ge3A_655 : i1 to i32
      %cond3A_657 = arith.constant 0 : i32
      %cond3A_658 = arith.cmpi ne, %convert_element_type3A_656, %cond3A_657 : i32
      scf.if %cond3A_658 {
        %sub3A_853 = arith.constant 4 : i32
        %sub3A_854 = arith.subi %add3A_606, %sub3A_853 : i32
        %jit3A_855 = arith.constant 4 : i32
        %div3A_856 = arith.divsi %sub3A_854, %jit3A_855 : i32
        %sign3A_857 = arith.constant 0 : i32
        %sign3A_858 = arith.cmpi sgt, %sub3A_854, %sign3A_857 : i32
        %sign3A_859 = arith.extui %sign3A_858 : i1 to i32
        %sign3A_860 = arith.constant 0 : i32
        %sign3A_861 = arith.cmpi slt, %sub3A_854, %sign3A_860 : i32
        %sign3A_862 = arith.extui %sign3A_861 : i1 to i32
        %sign3A_863 = arith.subi %sign3A_859, %sign3A_862 : i32
        %sign3A_864 = arith.constant 0 : i32
        %sign3A_865 = arith.cmpi sgt, %jit3A_855, %sign3A_864 : i32
        %sign3A_866 = arith.extui %sign3A_865 : i1 to i32
        %sign3A_867 = arith.constant 0 : i32
        %sign3A_868 = arith.cmpi slt, %jit3A_855, %sign3A_867 : i32
        %sign3A_869 = arith.extui %sign3A_868 : i1 to i32
        %sign3A_870 = arith.subi %sign3A_866, %sign3A_869 : i32
        %ne3A_871 = arith.cmpi ne, %sign3A_863, %sign3A_870 : i32
        %rem3A_872 = arith.remsi %sub3A_854, %jit3A_855 : i32
        %ne3A_873 = arith.constant 0 : i32
        %ne3A_874 = arith.cmpi ne, %rem3A_872, %ne3A_873 : i32
        %and3A_875 = arith.andi %ne3A_871, %ne3A_874 : i1
        %sub3A_876 = arith.constant 1 : i32
        %sub3A_877 = arith.subi %div3A_856, %sub3A_876 : i32
        %select_n3A_878 = arith.select %and3A_875, %sub3A_877, %div3A_856 : i32
        %jit3A_879 = arith.constant 4 : i32
        %eq3A_880 = arith.constant 0 : i32
        %eq3A_881 = arith.cmpi eq, %jit3A_879, %eq3A_880 : i32
        %jit3A_882 = arith.constant 1 : i32
        %select_n3A_883 = arith.select %eq3A_881, %jit3A_882, %jit3A_879 : i32
        %rem3A_884 = arith.remsi %sub3A_854, %select_n3A_883 : i32
        %ne3A_885 = arith.constant 0 : i32
        %ne3A_886 = arith.cmpi ne, %rem3A_884, %ne3A_885 : i32
        %lt3A_887 = arith.constant 0 : i32
        %lt3A_888 = arith.cmpi slt, %rem3A_884, %lt3A_887 : i32
        %lt3A_889 = arith.constant 0 : i32
        %lt3A_890 = arith.cmpi slt, %select_n3A_883, %lt3A_889 : i32
        %ne3A_891 = arith.xori %lt3A_888, %lt3A_890 : i1
        %and3A_892 = arith.andi %ne3A_891, %ne3A_886 : i1
        %add3A_893 = arith.addi %rem3A_884, %select_n3A_883 : i32
        %select_n3A_894 = arith.select %and3A_892, %add3A_893, %rem3A_884 : i32
        %mul3A_895 = arith.constant 4 : i32
        %mul3A_896 = arith.muli %add3A, %mul3A_895 : i32
        %add3A_897 = arith.addi %mul3A_896, %select_n3A_894 : i32
        %dma_wait3A_898 = arith.constant 0 : i32
        %dma_wait3A_899 = arith.constant 0 : i32
        %dma_wait3A_900 = arith.constant 0 : i32
        %dma_wait3A_901 = tpu.memref_slice %arg12[%dma_wait3A_898, %dma_wait3A_899, %dma_wait3A_900] : memref<8x8x129xf32, #tpu.memory_space<vmem>> -> memref<8x8x128xf32, #tpu.memory_space<vmem>>
        %dma_wait3A_902 = arith.constant 0 : i32
        %dma_wait3A_903 = arith.constant 0 : i32
        %dma_wait3A_904 = arith.constant 0 : i32
        %dma_wait3A_905 = tpu.memref_slice %arg4[%select_n3A_878, %dma_wait3A_902, %add3A_897, %dma_wait3A_903, %dma_wait3A_904] : memref<26x8x128x8x128xf32, #tpu.memory_space<hbm>> -> memref<1x8x1x8x128xf32, #tpu.memory_space<hbm>>
        %dma_wait3A_906 = tpu.memref_squeeze %dma_wait3A_905 : memref<1x8x1x8x128xf32, #tpu.memory_space<hbm>> -> memref<8x8x128xf32, #tpu.memory_space<hbm>>
        %dma_wait3A_907 = arith.constant 0 : i32
        %dma_wait3A_908 = arith.constant 0 : i32
        %dma_wait3A_909 = arith.constant 0 : i32
        %dma_wait3A_910 = tpu.memref_slice %arg4[%select_n3A_878, %dma_wait3A_907, %add3A_897, %dma_wait3A_908, %dma_wait3A_909] : memref<26x8x128x8x128xf32, #tpu.memory_space<hbm>> -> memref<1x8x1x8x128xf32, #tpu.memory_space<hbm>>
        %dma_wait3A_911 = tpu.memref_squeeze %dma_wait3A_910 : memref<1x8x1x8x128xf32, #tpu.memory_space<hbm>> -> memref<8x8x128xf32, #tpu.memory_space<hbm>>
        %dma_wait3A_912 = arith.constant 0 : i32
        %dma_wait3A_913 = arith.constant 0 : i32
        %dma_wait3A_914 = arith.constant 0 : i32
        %dma_wait3A_915 = tpu.memref_slice %arg12[%dma_wait3A_912, %dma_wait3A_913, %dma_wait3A_914] : memref<8x8x129xf32, #tpu.memory_space<vmem>> -> memref<8x8x128xf32, #tpu.memory_space<vmem>>
        tpu.wait_dma2 semaphore(%arg20 : memref<!tpu.dma_semaphore, #tpu.memory_space<semaphore_mem>>) src(%dma_wait3A_915 : memref<8x8x128xf32, #tpu.memory_space<vmem>>) dst(%dma_wait3A_911 : memref<8x8x128xf32, #tpu.memory_space<hbm>>)
      } else {
      }
      %parallel_loop3A_659 = arith.constant 0 : i32
      %parallel_loop3A_660 = arith.constant 128 : i32
      %parallel_loop3A_661 = arith.constant 1 : i32
      scf.for %parallel_loop3A_853 = %parallel_loop3A_659 to %parallel_loop3A_660 step %parallel_loop3A_661  : i32 {
        %parallel_loop3A_854 = vector.broadcast %parallel_loop3A_853 : i32 to vector<16xi32>
        %parallel_loop3A_855 = arith.index_cast %parallel_loop3A_853 : i32 to index
        %parallel_loop3A_856 = arith.constant 0 : index
        %parallel_loop3A_857 = tpu.vector_load %arg8[%parallel_loop3A_855, %parallel_loop3A_856] {strides = array<i32>} : memref<128x64xf32, #tpu.memory_space<vmem>>, vector<16xf32>,
        tpu.vector_store_idx %arg12[%select_n3A, %select_n3A_156, %parallel_loop3A_854], %parallel_loop3A_857 : memref<8x8x129xf32, #tpu.memory_space<vmem>>[vector<16xi32>, vector<16xi32>, vector<16xi32>], vector<16xf32>,
        %parallel_loop3A_858 = arith.index_cast %parallel_loop3A_853 : i32 to index
        %parallel_loop3A_859 = arith.constant 16 : index
        %parallel_loop3A_860 = tpu.vector_load %arg8[%parallel_loop3A_858, %parallel_loop3A_859] {strides = array<i32>} : memref<128x64xf32, #tpu.memory_space<vmem>>, vector<16xf32>,
        tpu.vector_store_idx %arg12[%select_n3A_65, %select_n3A_181, %parallel_loop3A_854], %parallel_loop3A_860 : memref<8x8x129xf32, #tpu.memory_space<vmem>>[vector<16xi32>, vector<16xi32>, vector<16xi32>], vector<16xf32>,
        %parallel_loop3A_861 = arith.index_cast %parallel_loop3A_853 : i32 to index
        %parallel_loop3A_862 = arith.constant 32 : index
        %parallel_loop3A_863 = tpu.vector_load %arg8[%parallel_loop3A_861, %parallel_loop3A_862] {strides = array<i32>} : memref<128x64xf32, #tpu.memory_space<vmem>>, vector<16xf32>,
        tpu.vector_store_idx %arg12[%select_n3A_99, %select_n3A_206, %parallel_loop3A_854], %parallel_loop3A_863 : memref<8x8x129xf32, #tpu.memory_space<vmem>>[vector<16xi32>, vector<16xi32>, vector<16xi32>], vector<16xf32>,
        %parallel_loop3A_864 = arith.index_cast %parallel_loop3A_853 : i32 to index
        %parallel_loop3A_865 = arith.constant 48 : index
        %parallel_loop3A_866 = tpu.vector_load %arg8[%parallel_loop3A_864, %parallel_loop3A_865] {strides = array<i32>} : memref<128x64xf32, #tpu.memory_space<vmem>>, vector<16xf32>,
        tpu.vector_store_idx %arg12[%select_n3A_133, %select_n3A_231, %parallel_loop3A_854], %parallel_loop3A_866 : memref<8x8x129xf32, #tpu.memory_space<vmem>>[vector<16xi32>, vector<16xi32>, vector<16xi32>], vector<16xf32>,
      } {sc.loop_unroll_factor = 4 : i64, sc.parallel_access}
      %jit3A_662 = arith.constant 4 : i32
      %div3A_663 = arith.divsi %add3A_606, %jit3A_662 : i32
      %sign3A_664 = arith.constant 0 : i32
      %sign3A_665 = arith.cmpi sgt, %add3A_606, %sign3A_664 : i32
      %sign3A_666 = arith.extui %sign3A_665 : i1 to i32
      %sign3A_667 = arith.constant 0 : i32
      %sign3A_668 = arith.cmpi slt, %add3A_606, %sign3A_667 : i32
      %sign3A_669 = arith.extui %sign3A_668 : i1 to i32
      %sign3A_670 = arith.subi %sign3A_666, %sign3A_669 : i32
      %sign3A_671 = arith.constant 0 : i32
      %sign3A_672 = arith.cmpi sgt, %jit3A_662, %sign3A_671 : i32
      %sign3A_673 = arith.extui %sign3A_672 : i1 to i32
      %sign3A_674 = arith.constant 0 : i32
      %sign3A_675 = arith.cmpi slt, %jit3A_662, %sign3A_674 : i32
      %sign3A_676 = arith.extui %sign3A_675 : i1 to i32
      %sign3A_677 = arith.subi %sign3A_673, %sign3A_676 : i32
      %ne3A_678 = arith.cmpi ne, %sign3A_670, %sign3A_677 : i32
      %rem3A_679 = arith.remsi %add3A_606, %jit3A_662 : i32
      %ne3A_680 = arith.constant 0 : i32
      %ne3A_681 = arith.cmpi ne, %rem3A_679, %ne3A_680 : i32
      %and3A_682 = arith.andi %ne3A_678, %ne3A_681 : i1
      %sub3A_683 = arith.constant 1 : i32
      %sub3A_684 = arith.subi %div3A_663, %sub3A_683 : i32
      %select_n3A_685 = arith.select %and3A_682, %sub3A_684, %div3A_663 : i32
      %jit3A_686 = arith.constant 4 : i32
      %eq3A_687 = arith.constant 0 : i32
      %eq3A_688 = arith.cmpi eq, %jit3A_686, %eq3A_687 : i32
      %jit3A_689 = arith.constant 1 : i32
      %select_n3A_690 = arith.select %eq3A_688, %jit3A_689, %jit3A_686 : i32
      %rem3A_691 = arith.remsi %add3A_606, %select_n3A_690 : i32
      %ne3A_692 = arith.constant 0 : i32
      %ne3A_693 = arith.cmpi ne, %rem3A_691, %ne3A_692 : i32
      %lt3A_694 = arith.constant 0 : i32
      %lt3A_695 = arith.cmpi slt, %rem3A_691, %lt3A_694 : i32
      %lt3A_696 = arith.constant 0 : i32
      %lt3A_697 = arith.cmpi slt, %select_n3A_690, %lt3A_696 : i32
      %ne3A_698 = arith.xori %lt3A_695, %lt3A_697 : i1
      %and3A_699 = arith.andi %ne3A_698, %ne3A_693 : i1
      %add3A_700 = arith.addi %rem3A_691, %select_n3A_690 : i32
      %select_n3A_701 = arith.select %and3A_699, %add3A_700, %rem3A_691 : i32
      %mul3A_702 = arith.constant 4 : i32
      %mul3A_703 = arith.muli %add3A, %mul3A_702 : i32
      %add3A_704 = arith.addi %mul3A_703, %select_n3A_701 : i32
      %dma_start3A_705 = arith.constant 0 : i32
      %dma_start3A_706 = arith.constant 0 : i32
      %dma_start3A_707 = arith.constant 0 : i32
      %dma_start3A_708 = tpu.memref_slice %arg12[%dma_start3A_705, %dma_start3A_706, %dma_start3A_707] : memref<8x8x129xf32, #tpu.memory_space<vmem>> -> memref<8x8x128xf32, #tpu.memory_space<vmem>>
      %dma_start3A_709 = arith.constant 0 : i32
      %dma_start3A_710 = arith.constant 0 : i32
      %dma_start3A_711 = arith.constant 0 : i32
      %dma_start3A_712 = tpu.memref_slice %arg4[%select_n3A_685, %dma_start3A_709, %add3A_704, %dma_start3A_710, %dma_start3A_711] : memref<26x8x128x8x128xf32, #tpu.memory_space<hbm>> -> memref<1x8x1x8x128xf32, #tpu.memory_space<hbm>>
      %dma_start3A_713 = tpu.memref_squeeze %dma_start3A_712 : memref<1x8x1x8x128xf32, #tpu.memory_space<hbm>> -> memref<8x8x128xf32, #tpu.memory_space<hbm>>
      %dma_start3A_714 = arith.constant 0 : i32
      %dma_start3A_715 = arith.constant 0 : i32
      %dma_start3A_716 = arith.constant 0 : i32
      %dma_start3A_717 = tpu.memref_slice %arg4[%select_n3A_685, %dma_start3A_714, %add3A_704, %dma_start3A_715, %dma_start3A_716] : memref<26x8x128x8x128xf32, #tpu.memory_space<hbm>> -> memref<1x8x1x8x128xf32, #tpu.memory_space<hbm>>
      %dma_start3A_718 = tpu.memref_squeeze %dma_start3A_717 : memref<1x8x1x8x128xf32, #tpu.memory_space<hbm>> -> memref<8x8x128xf32, #tpu.memory_space<hbm>>
      %dma_start3A_719 = arith.constant 0 : i32
      %dma_start3A_720 = arith.constant 0 : i32
      %dma_start3A_721 = arith.constant 0 : i32
      %dma_start3A_722 = tpu.memref_slice %arg12[%dma_start3A_719, %dma_start3A_720, %dma_start3A_721] : memref<8x8x129xf32, #tpu.memory_space<vmem>> -> memref<8x8x128xf32, #tpu.memory_space<vmem>>
      tpu.enqueue_dma source(%dma_start3A_722 : memref<8x8x128xf32, #tpu.memory_space<vmem>>) target(%dma_start3A_718 : memref<8x8x128xf32, #tpu.memory_space<hbm>>) target_semaphore(%arg20 : memref<!tpu.dma_semaphore, #tpu.memory_space<semaphore_mem>>)
      %lt3A_723 = arith.constant 25 : i32
      %lt3A_724 = arith.cmpi slt, %scan3A_356, %lt3A_723 : i32
      %convert_element_type3A_725 = arith.extui %lt3A_724 : i1 to i32
      %cond3A_726 = arith.constant 0 : i32
      %cond3A_727 = arith.cmpi ne, %convert_element_type3A_725, %cond3A_726 : i32
      scf.if %cond3A_727 {
        %add3A_853 = arith.constant 4 : i32
        %add3A_854 = arith.addi %add3A_606, %add3A_853 : i32
        %jit3A_855 = arith.constant 4 : i32
        %div3A_856 = arith.divsi %add3A_854, %jit3A_855 : i32
        %sign3A_857 = arith.constant 0 : i32
        %sign3A_858 = arith.cmpi sgt, %add3A_854, %sign3A_857 : i32
        %sign3A_859 = arith.extui %sign3A_858 : i1 to i32
        %sign3A_860 = arith.constant 0 : i32
        %sign3A_861 = arith.cmpi slt, %add3A_854, %sign3A_860 : i32
        %sign3A_862 = arith.extui %sign3A_861 : i1 to i32
        %sign3A_863 = arith.subi %sign3A_859, %sign3A_862 : i32
        %sign3A_864 = arith.constant 0 : i32
        %sign3A_865 = arith.cmpi sgt, %jit3A_855, %sign3A_864 : i32
        %sign3A_866 = arith.extui %sign3A_865 : i1 to i32
        %sign3A_867 = arith.constant 0 : i32
        %sign3A_868 = arith.cmpi slt, %jit3A_855, %sign3A_867 : i32
        %sign3A_869 = arith.extui %sign3A_868 : i1 to i32
        %sign3A_870 = arith.subi %sign3A_866, %sign3A_869 : i32
        %ne3A_871 = arith.cmpi ne, %sign3A_863, %sign3A_870 : i32
        %rem3A_872 = arith.remsi %add3A_854, %jit3A_855 : i32
        %ne3A_873 = arith.constant 0 : i32
        %ne3A_874 = arith.cmpi ne, %rem3A_872, %ne3A_873 : i32
        %and3A_875 = arith.andi %ne3A_871, %ne3A_874 : i1
        %sub3A_876 = arith.constant 1 : i32
        %sub3A_877 = arith.subi %div3A_856, %sub3A_876 : i32
        %select_n3A_878 = arith.select %and3A_875, %sub3A_877, %div3A_856 : i32
        %jit3A_879 = arith.constant 4 : i32
        %eq3A_880 = arith.constant 0 : i32
        %eq3A_881 = arith.cmpi eq, %jit3A_879, %eq3A_880 : i32
        %jit3A_882 = arith.constant 1 : i32
        %select_n3A_883 = arith.select %eq3A_881, %jit3A_882, %jit3A_879 : i32
        %rem3A_884 = arith.remsi %add3A_854, %select_n3A_883 : i32
        %ne3A_885 = arith.constant 0 : i32
        %ne3A_886 = arith.cmpi ne, %rem3A_884, %ne3A_885 : i32
        %lt3A_887 = arith.constant 0 : i32
        %lt3A_888 = arith.cmpi slt, %rem3A_884, %lt3A_887 : i32
        %lt3A_889 = arith.constant 0 : i32
        %lt3A_890 = arith.cmpi slt, %select_n3A_883, %lt3A_889 : i32
        %ne3A_891 = arith.xori %lt3A_888, %lt3A_890 : i1
        %and3A_892 = arith.andi %ne3A_891, %ne3A_886 : i1
        %add3A_893 = arith.addi %rem3A_884, %select_n3A_883 : i32
        %select_n3A_894 = arith.select %and3A_892, %add3A_893, %rem3A_884 : i32
        %mul3A_895 = arith.constant 128 : i32
        %mul3A_896 = arith.muli %select_n3A_894, %mul3A_895 : i32
        %dma_start3A_897 = tpu.memref_slice %arg5[%select_n3A_878, %mul3A_896] : memref<26x512xi32, #tpu.memory_space<vmem>> -> memref<1x128xi32, #tpu.memory_space<vmem>>
        %dma_start3A_898 = tpu.memref_squeeze %dma_start3A_897 : memref<1x128xi32, #tpu.memory_space<vmem>> -> memref<128xi32, #tpu.memory_space<vmem>>
        %dma_start3A_899 = arith.constant 0 : i32
        %dma_start3A_900 = arith.constant 0 : i32
        %dma_start3A_901 = tpu.memref_slice %arg3[%dma_start3A_899, %dma_start3A_900] : memref<1000000x64xf32, #tpu.memory_space<hbm>> -> memref<1000000x64xf32, #tpu.memory_space<hbm>>
        tpu.enqueue_indirect_dma source(%dma_start3A_901 : memref<1000000x64xf32, #tpu.memory_space<hbm>>) target(%arg8 : memref<128x64xf32, #tpu.memory_space<vmem>>) offsets(%dma_start3A_898 : memref<128xi32, #tpu.memory_space<vmem>>) semaphore(%arg16 : memref<!tpu.dma_semaphore, #tpu.memory_space<semaphore_mem>>)
      } else {
      }
      %mul3A_728 = arith.constant 4 : i32
      %mul3A_729 = arith.muli %mul3A_728, %scan3A_356 : i32
      %add3A_730 = arith.constant 3 : i32
      %add3A_731 = arith.addi %mul3A_729, %add3A_730 : i32
      %jit3A_732 = arith.constant 4 : i32
      %div3A_733 = arith.divsi %add3A_731, %jit3A_732 : i32
      %sign3A_734 = arith.constant 0 : i32
      %sign3A_735 = arith.cmpi sgt, %add3A_731, %sign3A_734 : i32
      %sign3A_736 = arith.extui %sign3A_735 : i1 to i32
      %sign3A_737 = arith.constant 0 : i32
      %sign3A_738 = arith.cmpi slt, %add3A_731, %sign3A_737 : i32
      %sign3A_739 = arith.extui %sign3A_738 : i1 to i32
      %sign3A_740 = arith.subi %sign3A_736, %sign3A_739 : i32
      %sign3A_741 = arith.constant 0 : i32
      %sign3A_742 = arith.cmpi sgt, %jit3A_732, %sign3A_741 : i32
      %sign3A_743 = arith.extui %sign3A_742 : i1 to i32
      %sign3A_744 = arith.constant 0 : i32
      %sign3A_745 = arith.cmpi slt, %jit3A_732, %sign3A_744 : i32
      %sign3A_746 = arith.extui %sign3A_745 : i1 to i32
      %sign3A_747 = arith.subi %sign3A_743, %sign3A_746 : i32
      %ne3A_748 = arith.cmpi ne, %sign3A_740, %sign3A_747 : i32
      %rem3A_749 = arith.remsi %add3A_731, %jit3A_732 : i32
      %ne3A_750 = arith.constant 0 : i32
      %ne3A_751 = arith.cmpi ne, %rem3A_749, %ne3A_750 : i32
      %and3A_752 = arith.andi %ne3A_748, %ne3A_751 : i1
      %sub3A_753 = arith.constant 1 : i32
      %sub3A_754 = arith.subi %div3A_733, %sub3A_753 : i32
      %select_n3A_755 = arith.select %and3A_752, %sub3A_754, %div3A_733 : i32
      %jit3A_756 = arith.constant 4 : i32
      %eq3A_757 = arith.constant 0 : i32
      %eq3A_758 = arith.cmpi eq, %jit3A_756, %eq3A_757 : i32
      %jit3A_759 = arith.constant 1 : i32
      %select_n3A_760 = arith.select %eq3A_758, %jit3A_759, %jit3A_756 : i32
      %rem3A_761 = arith.remsi %add3A_731, %select_n3A_760 : i32
      %ne3A_762 = arith.constant 0 : i32
      %ne3A_763 = arith.cmpi ne, %rem3A_761, %ne3A_762 : i32
      %lt3A_764 = arith.constant 0 : i32
      %lt3A_765 = arith.cmpi slt, %rem3A_761, %lt3A_764 : i32
      %lt3A_766 = arith.constant 0 : i32
      %lt3A_767 = arith.cmpi slt, %select_n3A_760, %lt3A_766 : i32
      %ne3A_768 = arith.xori %lt3A_765, %lt3A_767 : i1
      %and3A_769 = arith.andi %ne3A_768, %ne3A_763 : i1
      %add3A_770 = arith.addi %rem3A_761, %select_n3A_760 : i32
      %select_n3A_771 = arith.select %and3A_769, %add3A_770, %rem3A_761 : i32
      %mul3A_772 = arith.constant 128 : i32
      %mul3A_773 = arith.muli %select_n3A_771, %mul3A_772 : i32
      %dma_wait3A_774 = tpu.memref_slice %arg5[%select_n3A_755, %mul3A_773] : memref<26x512xi32, #tpu.memory_space<vmem>> -> memref<1x128xi32, #tpu.memory_space<vmem>>
      %dma_wait3A_775 = tpu.memref_squeeze %dma_wait3A_774 : memref<1x128xi32, #tpu.memory_space<vmem>> -> memref<128xi32, #tpu.memory_space<vmem>>
      %dma_wait3A_776 = arith.constant 0 : i32
      %dma_wait3A_777 = arith.constant 0 : i32
      %dma_wait3A_778 = tpu.memref_slice %arg3[%dma_wait3A_776, %dma_wait3A_777] : memref<1000000x64xf32, #tpu.memory_space<hbm>> -> memref<1000000x64xf32, #tpu.memory_space<hbm>>
      tpu.wait_indirect_dma semaphore(%arg17 : memref<!tpu.dma_semaphore, #tpu.memory_space<semaphore_mem>>) src(%dma_wait3A_778 : memref<1000000x64xf32, #tpu.memory_space<hbm>>) dst(%arg9 : memref<128x64xf32, #tpu.memory_space<vmem>>)
      %ge3A_779 = arith.constant 1 : i32
      %ge3A_780 = arith.cmpi sge, %scan3A_356, %ge3A_779 : i32
      %convert_element_type3A_781 = arith.extui %ge3A_780 : i1 to i32
      %cond3A_782 = arith.constant 0 : i32
      %cond3A_783 = arith.cmpi ne, %convert_element_type3A_781, %cond3A_782 : i32
      scf.if %cond3A_783 {
        %sub3A_853 = arith.constant 4 : i32
        %sub3A_854 = arith.subi %add3A_731, %sub3A_853 : i32
        %jit3A_855 = arith.constant 4 : i32
        %div3A_856 = arith.divsi %sub3A_854, %jit3A_855 : i32
        %sign3A_857 = arith.constant 0 : i32
        %sign3A_858 = arith.cmpi sgt, %sub3A_854, %sign3A_857 : i32
        %sign3A_859 = arith.extui %sign3A_858 : i1 to i32
        %sign3A_860 = arith.constant 0 : i32
        %sign3A_861 = arith.cmpi slt, %sub3A_854, %sign3A_860 : i32
        %sign3A_862 = arith.extui %sign3A_861 : i1 to i32
        %sign3A_863 = arith.subi %sign3A_859, %sign3A_862 : i32
        %sign3A_864 = arith.constant 0 : i32
        %sign3A_865 = arith.cmpi sgt, %jit3A_855, %sign3A_864 : i32
        %sign3A_866 = arith.extui %sign3A_865 : i1 to i32
        %sign3A_867 = arith.constant 0 : i32
        %sign3A_868 = arith.cmpi slt, %jit3A_855, %sign3A_867 : i32
        %sign3A_869 = arith.extui %sign3A_868 : i1 to i32
        %sign3A_870 = arith.subi %sign3A_866, %sign3A_869 : i32
        %ne3A_871 = arith.cmpi ne, %sign3A_863, %sign3A_870 : i32
        %rem3A_872 = arith.remsi %sub3A_854, %jit3A_855 : i32
        %ne3A_873 = arith.constant 0 : i32
        %ne3A_874 = arith.cmpi ne, %rem3A_872, %ne3A_873 : i32
        %and3A_875 = arith.andi %ne3A_871, %ne3A_874 : i1
        %sub3A_876 = arith.constant 1 : i32
        %sub3A_877 = arith.subi %div3A_856, %sub3A_876 : i32
        %select_n3A_878 = arith.select %and3A_875, %sub3A_877, %div3A_856 : i32
        %jit3A_879 = arith.constant 4 : i32
        %eq3A_880 = arith.constant 0 : i32
        %eq3A_881 = arith.cmpi eq, %jit3A_879, %eq3A_880 : i32
        %jit3A_882 = arith.constant 1 : i32
        %select_n3A_883 = arith.select %eq3A_881, %jit3A_882, %jit3A_879 : i32
        %rem3A_884 = arith.remsi %sub3A_854, %select_n3A_883 : i32
        %ne3A_885 = arith.constant 0 : i32
        %ne3A_886 = arith.cmpi ne, %rem3A_884, %ne3A_885 : i32
        %lt3A_887 = arith.constant 0 : i32
        %lt3A_888 = arith.cmpi slt, %rem3A_884, %lt3A_887 : i32
        %lt3A_889 = arith.constant 0 : i32
        %lt3A_890 = arith.cmpi slt, %select_n3A_883, %lt3A_889 : i32
        %ne3A_891 = arith.xori %lt3A_888, %lt3A_890 : i1
        %and3A_892 = arith.andi %ne3A_891, %ne3A_886 : i1
        %add3A_893 = arith.addi %rem3A_884, %select_n3A_883 : i32
        %select_n3A_894 = arith.select %and3A_892, %add3A_893, %rem3A_884 : i32
        %mul3A_895 = arith.constant 4 : i32
        %mul3A_896 = arith.muli %add3A, %mul3A_895 : i32
        %add3A_897 = arith.addi %mul3A_896, %select_n3A_894 : i32
        %dma_wait3A_898 = arith.constant 0 : i32
        %dma_wait3A_899 = arith.constant 0 : i32
        %dma_wait3A_900 = arith.constant 0 : i32
        %dma_wait3A_901 = tpu.memref_slice %arg13[%dma_wait3A_898, %dma_wait3A_899, %dma_wait3A_900] : memref<8x8x129xf32, #tpu.memory_space<vmem>> -> memref<8x8x128xf32, #tpu.memory_space<vmem>>
        %dma_wait3A_902 = arith.constant 0 : i32
        %dma_wait3A_903 = arith.constant 0 : i32
        %dma_wait3A_904 = arith.constant 0 : i32
        %dma_wait3A_905 = tpu.memref_slice %arg4[%select_n3A_878, %dma_wait3A_902, %add3A_897, %dma_wait3A_903, %dma_wait3A_904] : memref<26x8x128x8x128xf32, #tpu.memory_space<hbm>> -> memref<1x8x1x8x128xf32, #tpu.memory_space<hbm>>
        %dma_wait3A_906 = tpu.memref_squeeze %dma_wait3A_905 : memref<1x8x1x8x128xf32, #tpu.memory_space<hbm>> -> memref<8x8x128xf32, #tpu.memory_space<hbm>>
        %dma_wait3A_907 = arith.constant 0 : i32
        %dma_wait3A_908 = arith.constant 0 : i32
        %dma_wait3A_909 = arith.constant 0 : i32
        %dma_wait3A_910 = tpu.memref_slice %arg4[%select_n3A_878, %dma_wait3A_907, %add3A_897, %dma_wait3A_908, %dma_wait3A_909] : memref<26x8x128x8x128xf32, #tpu.memory_space<hbm>> -> memref<1x8x1x8x128xf32, #tpu.memory_space<hbm>>
        %dma_wait3A_911 = tpu.memref_squeeze %dma_wait3A_910 : memref<1x8x1x8x128xf32, #tpu.memory_space<hbm>> -> memref<8x8x128xf32, #tpu.memory_space<hbm>>
        %dma_wait3A_912 = arith.constant 0 : i32
        %dma_wait3A_913 = arith.constant 0 : i32
        %dma_wait3A_914 = arith.constant 0 : i32
        %dma_wait3A_915 = tpu.memref_slice %arg13[%dma_wait3A_912, %dma_wait3A_913, %dma_wait3A_914] : memref<8x8x129xf32, #tpu.memory_space<vmem>> -> memref<8x8x128xf32, #tpu.memory_space<vmem>>
        tpu.wait_dma2 semaphore(%arg21 : memref<!tpu.dma_semaphore, #tpu.memory_space<semaphore_mem>>) src(%dma_wait3A_915 : memref<8x8x128xf32, #tpu.memory_space<vmem>>) dst(%dma_wait3A_911 : memref<8x8x128xf32, #tpu.memory_space<hbm>>)
      } else {
      }
      %parallel_loop3A_784 = arith.constant 0 : i32
      %parallel_loop3A_785 = arith.constant 128 : i32
      %parallel_loop3A_786 = arith.constant 1 : i32
      scf.for %parallel_loop3A_853 = %parallel_loop3A_784 to %parallel_loop3A_785 step %parallel_loop3A_786  : i32 {
        %parallel_loop3A_854 = vector.broadcast %parallel_loop3A_853 : i32 to vector<16xi32>
        %parallel_loop3A_855 = arith.index_cast %parallel_loop3A_853 : i32 to index
        %parallel_loop3A_856 = arith.constant 0 : index
        %parallel_loop3A_857 = tpu.vector_load %arg9[%parallel_loop3A_855, %parallel_loop3A_856] {strides = array<i32>} : memref<128x64xf32, #tpu.memory_space<vmem>>, vector<16xf32>,
        tpu.vector_store_idx %arg13[%select_n3A, %select_n3A_156, %parallel_loop3A_854], %parallel_loop3A_857 : memref<8x8x129xf32, #tpu.memory_space<vmem>>[vector<16xi32>, vector<16xi32>, vector<16xi32>], vector<16xf32>,
        %parallel_loop3A_858 = arith.index_cast %parallel_loop3A_853 : i32 to index
        %parallel_loop3A_859 = arith.constant 16 : index
        %parallel_loop3A_860 = tpu.vector_load %arg9[%parallel_loop3A_858, %parallel_loop3A_859] {strides = array<i32>} : memref<128x64xf32, #tpu.memory_space<vmem>>, vector<16xf32>,
        tpu.vector_store_idx %arg13[%select_n3A_65, %select_n3A_181, %parallel_loop3A_854], %parallel_loop3A_860 : memref<8x8x129xf32, #tpu.memory_space<vmem>>[vector<16xi32>, vector<16xi32>, vector<16xi32>], vector<16xf32>,
        %parallel_loop3A_861 = arith.index_cast %parallel_loop3A_853 : i32 to index
        %parallel_loop3A_862 = arith.constant 32 : index
        %parallel_loop3A_863 = tpu.vector_load %arg9[%parallel_loop3A_861, %parallel_loop3A_862] {strides = array<i32>} : memref<128x64xf32, #tpu.memory_space<vmem>>, vector<16xf32>,
        tpu.vector_store_idx %arg13[%select_n3A_99, %select_n3A_206, %parallel_loop3A_854], %parallel_loop3A_863 : memref<8x8x129xf32, #tpu.memory_space<vmem>>[vector<16xi32>, vector<16xi32>, vector<16xi32>], vector<16xf32>,
        %parallel_loop3A_864 = arith.index_cast %parallel_loop3A_853 : i32 to index
        %parallel_loop3A_865 = arith.constant 48 : index
        %parallel_loop3A_866 = tpu.vector_load %arg9[%parallel_loop3A_864, %parallel_loop3A_865] {strides = array<i32>} : memref<128x64xf32, #tpu.memory_space<vmem>>, vector<16xf32>,
        tpu.vector_store_idx %arg13[%select_n3A_133, %select_n3A_231, %parallel_loop3A_854], %parallel_loop3A_866 : memref<8x8x129xf32, #tpu.memory_space<vmem>>[vector<16xi32>, vector<16xi32>, vector<16xi32>], vector<16xf32>,
      } {sc.loop_unroll_factor = 4 : i64, sc.parallel_access}
      %jit3A_787 = arith.constant 4 : i32
      %div3A_788 = arith.divsi %add3A_731, %jit3A_787 : i32
      %sign3A_789 = arith.constant 0 : i32
      %sign3A_790 = arith.cmpi sgt, %add3A_731, %sign3A_789 : i32
      %sign3A_791 = arith.extui %sign3A_790 : i1 to i32
      %sign3A_792 = arith.constant 0 : i32
      %sign3A_793 = arith.cmpi slt, %add3A_731, %sign3A_792 : i32
      %sign3A_794 = arith.extui %sign3A_793 : i1 to i32
      %sign3A_795 = arith.subi %sign3A_791, %sign3A_794 : i32
      %sign3A_796 = arith.constant 0 : i32
      %sign3A_797 = arith.cmpi sgt, %jit3A_787, %sign3A_796 : i32
      %sign3A_798 = arith.extui %sign3A_797 : i1 to i32
      %sign3A_799 = arith.constant 0 : i32
      %sign3A_800 = arith.cmpi slt, %jit3A_787, %sign3A_799 : i32
      %sign3A_801 = arith.extui %sign3A_800 : i1 to i32
      %sign3A_802 = arith.subi %sign3A_798, %sign3A_801 : i32
      %ne3A_803 = arith.cmpi ne, %sign3A_795, %sign3A_802 : i32
      %rem3A_804 = arith.remsi %add3A_731, %jit3A_787 : i32
      %ne3A_805 = arith.constant 0 : i32
      %ne3A_806 = arith.cmpi ne, %rem3A_804, %ne3A_805 : i32
      %and3A_807 = arith.andi %ne3A_803, %ne3A_806 : i1
      %sub3A_808 = arith.constant 1 : i32
      %sub3A_809 = arith.subi %div3A_788, %sub3A_808 : i32
      %select_n3A_810 = arith.select %and3A_807, %sub3A_809, %div3A_788 : i32
      %jit3A_811 = arith.constant 4 : i32
      %eq3A_812 = arith.constant 0 : i32
      %eq3A_813 = arith.cmpi eq, %jit3A_811, %eq3A_812 : i32
      %jit3A_814 = arith.constant 1 : i32
      %select_n3A_815 = arith.select %eq3A_813, %jit3A_814, %jit3A_811 : i32
      %rem3A_816 = arith.remsi %add3A_731, %select_n3A_815 : i32
      %ne3A_817 = arith.constant 0 : i32
      %ne3A_818 = arith.cmpi ne, %rem3A_816, %ne3A_817 : i32
      %lt3A_819 = arith.constant 0 : i32
      %lt3A_820 = arith.cmpi slt, %rem3A_816, %lt3A_819 : i32
      %lt3A_821 = arith.constant 0 : i32
      %lt3A_822 = arith.cmpi slt, %select_n3A_815, %lt3A_821 : i32
      %ne3A_823 = arith.xori %lt3A_820, %lt3A_822 : i1
      %and3A_824 = arith.andi %ne3A_823, %ne3A_818 : i1
      %add3A_825 = arith.addi %rem3A_816, %select_n3A_815 : i32
      %select_n3A_826 = arith.select %and3A_824, %add3A_825, %rem3A_816 : i32
      %mul3A_827 = arith.constant 4 : i32
      %mul3A_828 = arith.muli %add3A, %mul3A_827 : i32
      %add3A_829 = arith.addi %mul3A_828, %select_n3A_826 : i32
      %dma_start3A_830 = arith.constant 0 : i32
      %dma_start3A_831 = arith.constant 0 : i32
      %dma_start3A_832 = arith.constant 0 : i32
      %dma_start3A_833 = tpu.memref_slice %arg13[%dma_start3A_830, %dma_start3A_831, %dma_start3A_832] : memref<8x8x129xf32, #tpu.memory_space<vmem>> -> memref<8x8x128xf32, #tpu.memory_space<vmem>>
      %dma_start3A_834 = arith.constant 0 : i32
      %dma_start3A_835 = arith.constant 0 : i32
      %dma_start3A_836 = arith.constant 0 : i32
      %dma_start3A_837 = tpu.memref_slice %arg4[%select_n3A_810, %dma_start3A_834, %add3A_829, %dma_start3A_835, %dma_start3A_836] : memref<26x8x128x8x128xf32, #tpu.memory_space<hbm>> -> memref<1x8x1x8x128xf32, #tpu.memory_space<hbm>>
      %dma_start3A_838 = tpu.memref_squeeze %dma_start3A_837 : memref<1x8x1x8x128xf32, #tpu.memory_space<hbm>> -> memref<8x8x128xf32, #tpu.memory_space<hbm>>
      %dma_start3A_839 = arith.constant 0 : i32
      %dma_start3A_840 = arith.constant 0 : i32
      %dma_start3A_841 = arith.constant 0 : i32
      %dma_start3A_842 = tpu.memref_slice %arg4[%select_n3A_810, %dma_start3A_839, %add3A_829, %dma_start3A_840, %dma_start3A_841] : memref<26x8x128x8x128xf32, #tpu.memory_space<hbm>> -> memref<1x8x1x8x128xf32, #tpu.memory_space<hbm>>
      %dma_start3A_843 = tpu.memref_squeeze %dma_start3A_842 : memref<1x8x1x8x128xf32, #tpu.memory_space<hbm>> -> memref<8x8x128xf32, #tpu.memory_space<hbm>>
      %dma_start3A_844 = arith.constant 0 : i32
      %dma_start3A_845 = arith.constant 0 : i32
      %dma_start3A_846 = arith.constant 0 : i32
      %dma_start3A_847 = tpu.memref_slice %arg13[%dma_start3A_844, %dma_start3A_845, %dma_start3A_846] : memref<8x8x129xf32, #tpu.memory_space<vmem>> -> memref<8x8x128xf32, #tpu.memory_space<vmem>>
      tpu.enqueue_dma source(%dma_start3A_847 : memref<8x8x128xf32, #tpu.memory_space<vmem>>) target(%dma_start3A_843 : memref<8x8x128xf32, #tpu.memory_space<hbm>>) target_semaphore(%arg21 : memref<!tpu.dma_semaphore, #tpu.memory_space<semaphore_mem>>)
      %lt3A_848 = arith.constant 25 : i32
      %lt3A_849 = arith.cmpi slt, %scan3A_356, %lt3A_848 : i32
      %convert_element_type3A_850 = arith.extui %lt3A_849 : i1 to i32
      %cond3A_851 = arith.constant 0 : i32
      %cond3A_852 = arith.cmpi ne, %convert_element_type3A_850, %cond3A_851 : i32
      scf.if %cond3A_852 {
        %add3A_853 = arith.constant 4 : i32
        %add3A_854 = arith.addi %add3A_731, %add3A_853 : i32
        %jit3A_855 = arith.constant 4 : i32
        %div3A_856 = arith.divsi %add3A_854, %jit3A_855 : i32
        %sign3A_857 = arith.constant 0 : i32
        %sign3A_858 = arith.cmpi sgt, %add3A_854, %sign3A_857 : i32
        %sign3A_859 = arith.extui %sign3A_858 : i1 to i32
        %sign3A_860 = arith.constant 0 : i32
        %sign3A_861 = arith.cmpi slt, %add3A_854, %sign3A_860 : i32
        %sign3A_862 = arith.extui %sign3A_861 : i1 to i32
        %sign3A_863 = arith.subi %sign3A_859, %sign3A_862 : i32
        %sign3A_864 = arith.constant 0 : i32
        %sign3A_865 = arith.cmpi sgt, %jit3A_855, %sign3A_864 : i32
        %sign3A_866 = arith.extui %sign3A_865 : i1 to i32
        %sign3A_867 = arith.constant 0 : i32
        %sign3A_868 = arith.cmpi slt, %jit3A_855, %sign3A_867 : i32
        %sign3A_869 = arith.extui %sign3A_868 : i1 to i32
        %sign3A_870 = arith.subi %sign3A_866, %sign3A_869 : i32
        %ne3A_871 = arith.cmpi ne, %sign3A_863, %sign3A_870 : i32
        %rem3A_872 = arith.remsi %add3A_854, %jit3A_855 : i32
        %ne3A_873 = arith.constant 0 : i32
        %ne3A_874 = arith.cmpi ne, %rem3A_872, %ne3A_873 : i32
        %and3A_875 = arith.andi %ne3A_871, %ne3A_874 : i1
        %sub3A_876 = arith.constant 1 : i32
        %sub3A_877 = arith.subi %div3A_856, %sub3A_876 : i32
        %select_n3A_878 = arith.select %and3A_875, %sub3A_877, %div3A_856 : i32
        %jit3A_879 = arith.constant 4 : i32
        %eq3A_880 = arith.constant 0 : i32
        %eq3A_881 = arith.cmpi eq, %jit3A_879, %eq3A_880 : i32
        %jit3A_882 = arith.constant 1 : i32
        %select_n3A_883 = arith.select %eq3A_881, %jit3A_882, %jit3A_879 : i32
        %rem3A_884 = arith.remsi %add3A_854, %select_n3A_883 : i32
        %ne3A_885 = arith.constant 0 : i32
        %ne3A_886 = arith.cmpi ne, %rem3A_884, %ne3A_885 : i32
        %lt3A_887 = arith.constant 0 : i32
        %lt3A_888 = arith.cmpi slt, %rem3A_884, %lt3A_887 : i32
        %lt3A_889 = arith.constant 0 : i32
        %lt3A_890 = arith.cmpi slt, %select_n3A_883, %lt3A_889 : i32
        %ne3A_891 = arith.xori %lt3A_888, %lt3A_890 : i1
        %and3A_892 = arith.andi %ne3A_891, %ne3A_886 : i1
        %add3A_893 = arith.addi %rem3A_884, %select_n3A_883 : i32
        %select_n3A_894 = arith.select %and3A_892, %add3A_893, %rem3A_884 : i32
        %mul3A_895 = arith.constant 128 : i32
        %mul3A_896 = arith.muli %select_n3A_894, %mul3A_895 : i32
        %dma_start3A_897 = tpu.memref_slice %arg5[%select_n3A_878, %mul3A_896] : memref<26x512xi32, #tpu.memory_space<vmem>> -> memref<1x128xi32, #tpu.memory_space<vmem>>
        %dma_start3A_898 = tpu.memref_squeeze %dma_start3A_897 : memref<1x128xi32, #tpu.memory_space<vmem>> -> memref<128xi32, #tpu.memory_space<vmem>>
        %dma_start3A_899 = arith.constant 0 : i32
        %dma_start3A_900 = arith.constant 0 : i32
        %dma_start3A_901 = tpu.memref_slice %arg3[%dma_start3A_899, %dma_start3A_900] : memref<1000000x64xf32, #tpu.memory_space<hbm>> -> memref<1000000x64xf32, #tpu.memory_space<hbm>>
        tpu.enqueue_indirect_dma source(%dma_start3A_901 : memref<1000000x64xf32, #tpu.memory_space<hbm>>) target(%arg9 : memref<128x64xf32, #tpu.memory_space<vmem>>) offsets(%dma_start3A_898 : memref<128xi32, #tpu.memory_space<vmem>>) semaphore(%arg17 : memref<!tpu.dma_semaphore, #tpu.memory_space<semaphore_mem>>)
      } else {
      }
    }
    %scan3A_264 = arith.constant 26 : i32
    %mul3A_265 = arith.constant 4 : i32
    %mul3A_266 = arith.muli %add3A, %mul3A_265 : i32
    %add3A_267 = arith.constant 0 : i32
    %add3A_268 = arith.addi %mul3A_266, %add3A_267 : i32
    %dma_wait3A = arith.constant 25 : i32
    %dma_wait3A_269 = arith.constant 0 : i32
    %dma_wait3A_270 = arith.constant 0 : i32
    %dma_wait3A_271 = arith.constant 0 : i32
    %dma_wait3A_272 = tpu.memref_slice %arg10[%dma_wait3A_269, %dma_wait3A_270, %dma_wait3A_271] : memref<8x8x129xf32, #tpu.memory_space<vmem>> -> memref<8x8x128xf32, #tpu.memory_space<vmem>>
    %dma_wait3A_273 = arith.constant 0 : i32
    %dma_wait3A_274 = arith.constant 0 : i32
    %dma_wait3A_275 = arith.constant 0 : i32
    %dma_wait3A_276 = tpu.memref_slice %arg4[%dma_wait3A, %dma_wait3A_273, %add3A_268, %dma_wait3A_274, %dma_wait3A_275] : memref<26x8x128x8x128xf32, #tpu.memory_space<hbm>> -> memref<1x8x1x8x128xf32, #tpu.memory_space<hbm>>
    %dma_wait3A_277 = tpu.memref_squeeze %dma_wait3A_276 : memref<1x8x1x8x128xf32, #tpu.memory_space<hbm>> -> memref<8x8x128xf32, #tpu.memory_space<hbm>>
    %dma_wait3A_278 = arith.constant 0 : i32
    %dma_wait3A_279 = arith.constant 0 : i32
    %dma_wait3A_280 = arith.constant 0 : i32
    %dma_wait3A_281 = tpu.memref_slice %arg4[%dma_wait3A, %dma_wait3A_278, %add3A_268, %dma_wait3A_279, %dma_wait3A_280] : memref<26x8x128x8x128xf32, #tpu.memory_space<hbm>> -> memref<1x8x1x8x128xf32, #tpu.memory_space<hbm>>
    %dma_wait3A_282 = tpu.memref_squeeze %dma_wait3A_281 : memref<1x8x1x8x128xf32, #tpu.memory_space<hbm>> -> memref<8x8x128xf32, #tpu.memory_space<hbm>>
    %dma_wait3A_283 = arith.constant 0 : i32
    %dma_wait3A_284 = arith.constant 0 : i32
    %dma_wait3A_285 = arith.constant 0 : i32
    %dma_wait3A_286 = tpu.memref_slice %arg10[%dma_wait3A_283, %dma_wait3A_284, %dma_wait3A_285] : memref<8x8x129xf32, #tpu.memory_space<vmem>> -> memref<8x8x128xf32, #tpu.memory_space<vmem>>
    tpu.wait_dma2 semaphore(%arg18 : memref<!tpu.dma_semaphore, #tpu.memory_space<semaphore_mem>>) src(%dma_wait3A_286 : memref<8x8x128xf32, #tpu.memory_space<vmem>>) dst(%dma_wait3A_282 : memref<8x8x128xf32, #tpu.memory_space<hbm>>)
    %mul3A_287 = arith.constant 4 : i32
    %mul3A_288 = arith.muli %add3A, %mul3A_287 : i32
    %add3A_289 = arith.constant 1 : i32
    %add3A_290 = arith.addi %mul3A_288, %add3A_289 : i32
    %dma_wait3A_291 = arith.constant 25 : i32
    %dma_wait3A_292 = arith.constant 0 : i32
    %dma_wait3A_293 = arith.constant 0 : i32
    %dma_wait3A_294 = arith.constant 0 : i32
    %dma_wait3A_295 = tpu.memref_slice %arg11[%dma_wait3A_292, %dma_wait3A_293, %dma_wait3A_294] : memref<8x8x129xf32, #tpu.memory_space<vmem>> -> memref<8x8x128xf32, #tpu.memory_space<vmem>>
    %dma_wait3A_296 = arith.constant 0 : i32
    %dma_wait3A_297 = arith.constant 0 : i32
    %dma_wait3A_298 = arith.constant 0 : i32
    %dma_wait3A_299 = tpu.memref_slice %arg4[%dma_wait3A_291, %dma_wait3A_296, %add3A_290, %dma_wait3A_297, %dma_wait3A_298] : memref<26x8x128x8x128xf32, #tpu.memory_space<hbm>> -> memref<1x8x1x8x128xf32, #tpu.memory_space<hbm>>
    %dma_wait3A_300 = tpu.memref_squeeze %dma_wait3A_299 : memref<1x8x1x8x128xf32, #tpu.memory_space<hbm>> -> memref<8x8x128xf32, #tpu.memory_space<hbm>>
    %dma_wait3A_301 = arith.constant 0 : i32
    %dma_wait3A_302 = arith.constant 0 : i32
    %dma_wait3A_303 = arith.constant 0 : i32
    %dma_wait3A_304 = tpu.memref_slice %arg4[%dma_wait3A_291, %dma_wait3A_301, %add3A_290, %dma_wait3A_302, %dma_wait3A_303] : memref<26x8x128x8x128xf32, #tpu.memory_space<hbm>> -> memref<1x8x1x8x128xf32, #tpu.memory_space<hbm>>
    %dma_wait3A_305 = tpu.memref_squeeze %dma_wait3A_304 : memref<1x8x1x8x128xf32, #tpu.memory_space<hbm>> -> memref<8x8x128xf32, #tpu.memory_space<hbm>>
    %dma_wait3A_306 = arith.constant 0 : i32
    %dma_wait3A_307 = arith.constant 0 : i32
    %dma_wait3A_308 = arith.constant 0 : i32
    %dma_wait3A_309 = tpu.memref_slice %arg11[%dma_wait3A_306, %dma_wait3A_307, %dma_wait3A_308] : memref<8x8x129xf32, #tpu.memory_space<vmem>> -> memref<8x8x128xf32, #tpu.memory_space<vmem>>
    tpu.wait_dma2 semaphore(%arg19 : memref<!tpu.dma_semaphore, #tpu.memory_space<semaphore_mem>>) src(%dma_wait3A_309 : memref<8x8x128xf32, #tpu.memory_space<vmem>>) dst(%dma_wait3A_305 : memref<8x8x128xf32, #tpu.memory_space<hbm>>)
    %mul3A_310 = arith.constant 4 : i32
    %mul3A_311 = arith.muli %add3A, %mul3A_310 : i32
    %add3A_312 = arith.constant 2 : i32
    %add3A_313 = arith.addi %mul3A_311, %add3A_312 : i32
    %dma_wait3A_314 = arith.constant 25 : i32
    %dma_wait3A_315 = arith.constant 0 : i32
    %dma_wait3A_316 = arith.constant 0 : i32
    %dma_wait3A_317 = arith.constant 0 : i32
    %dma_wait3A_318 = tpu.memref_slice %arg12[%dma_wait3A_315, %dma_wait3A_316, %dma_wait3A_317] : memref<8x8x129xf32, #tpu.memory_space<vmem>> -> memref<8x8x128xf32, #tpu.memory_space<vmem>>
    %dma_wait3A_319 = arith.constant 0 : i32
    %dma_wait3A_320 = arith.constant 0 : i32
    %dma_wait3A_321 = arith.constant 0 : i32
    %dma_wait3A_322 = tpu.memref_slice %arg4[%dma_wait3A_314, %dma_wait3A_319, %add3A_313, %dma_wait3A_320, %dma_wait3A_321] : memref<26x8x128x8x128xf32, #tpu.memory_space<hbm>> -> memref<1x8x1x8x128xf32, #tpu.memory_space<hbm>>
    %dma_wait3A_323 = tpu.memref_squeeze %dma_wait3A_322 : memref<1x8x1x8x128xf32, #tpu.memory_space<hbm>> -> memref<8x8x128xf32, #tpu.memory_space<hbm>>
    %dma_wait3A_324 = arith.constant 0 : i32
    %dma_wait3A_325 = arith.constant 0 : i32
    %dma_wait3A_326 = arith.constant 0 : i32
    %dma_wait3A_327 = tpu.memref_slice %arg4[%dma_wait3A_314, %dma_wait3A_324, %add3A_313, %dma_wait3A_325, %dma_wait3A_326] : memref<26x8x128x8x128xf32, #tpu.memory_space<hbm>> -> memref<1x8x1x8x128xf32, #tpu.memory_space<hbm>>
    %dma_wait3A_328 = tpu.memref_squeeze %dma_wait3A_327 : memref<1x8x1x8x128xf32, #tpu.memory_space<hbm>> -> memref<8x8x128xf32, #tpu.memory_space<hbm>>
    %dma_wait3A_329 = arith.constant 0 : i32
    %dma_wait3A_330 = arith.constant 0 : i32
    %dma_wait3A_331 = arith.constant 0 : i32
    %dma_wait3A_332 = tpu.memref_slice %arg12[%dma_wait3A_329, %dma_wait3A_330, %dma_wait3A_331] : memref<8x8x129xf32, #tpu.memory_space<vmem>> -> memref<8x8x128xf32, #tpu.memory_space<vmem>>
    tpu.wait_dma2 semaphore(%arg20 : memref<!tpu.dma_semaphore, #tpu.memory_space<semaphore_mem>>) src(%dma_wait3A_332 : memref<8x8x128xf32, #tpu.memory_space<vmem>>) dst(%dma_wait3A_328 : memref<8x8x128xf32, #tpu.memory_space<hbm>>)
    %mul3A_333 = arith.constant 4 : i32
    %mul3A_334 = arith.muli %add3A, %mul3A_333 : i32
    %add3A_335 = arith.constant 3 : i32
    %add3A_336 = arith.addi %mul3A_334, %add3A_335 : i32
    %dma_wait3A_337 = arith.constant 25 : i32
    %dma_wait3A_338 = arith.constant 0 : i32
    %dma_wait3A_339 = arith.constant 0 : i32
    %dma_wait3A_340 = arith.constant 0 : i32
    %dma_wait3A_341 = tpu.memref_slice %arg13[%dma_wait3A_338, %dma_wait3A_339, %dma_wait3A_340] : memref<8x8x129xf32, #tpu.memory_space<vmem>> -> memref<8x8x128xf32, #tpu.memory_space<vmem>>
    %dma_wait3A_342 = arith.constant 0 : i32
    %dma_wait3A_343 = arith.constant 0 : i32
    %dma_wait3A_344 = arith.constant 0 : i32
    %dma_wait3A_345 = tpu.memref_slice %arg4[%dma_wait3A_337, %dma_wait3A_342, %add3A_336, %dma_wait3A_343, %dma_wait3A_344] : memref<26x8x128x8x128xf32, #tpu.memory_space<hbm>> -> memref<1x8x1x8x128xf32, #tpu.memory_space<hbm>>
    %dma_wait3A_346 = tpu.memref_squeeze %dma_wait3A_345 : memref<1x8x1x8x128xf32, #tpu.memory_space<hbm>> -> memref<8x8x128xf32, #tpu.memory_space<hbm>>
    %dma_wait3A_347 = arith.constant 0 : i32
    %dma_wait3A_348 = arith.constant 0 : i32
    %dma_wait3A_349 = arith.constant 0 : i32
    %dma_wait3A_350 = tpu.memref_slice %arg4[%dma_wait3A_337, %dma_wait3A_347, %add3A_336, %dma_wait3A_348, %dma_wait3A_349] : memref<26x8x128x8x128xf32, #tpu.memory_space<hbm>> -> memref<1x8x1x8x128xf32, #tpu.memory_space<hbm>>
    %dma_wait3A_351 = tpu.memref_squeeze %dma_wait3A_350 : memref<1x8x1x8x128xf32, #tpu.memory_space<hbm>> -> memref<8x8x128xf32, #tpu.memory_space<hbm>>
    %dma_wait3A_352 = arith.constant 0 : i32
    %dma_wait3A_353 = arith.constant 0 : i32
    %dma_wait3A_354 = arith.constant 0 : i32
    %dma_wait3A_355 = tpu.memref_slice %arg13[%dma_wait3A_352, %dma_wait3A_353, %dma_wait3A_354] : memref<8x8x129xf32, #tpu.memory_space<vmem>> -> memref<8x8x128xf32, #tpu.memory_space<vmem>>
    tpu.wait_dma2 semaphore(%arg21 : memref<!tpu.dma_semaphore, #tpu.memory_space<semaphore_mem>>) src(%dma_wait3A_355 : memref<8x8x128xf32, #tpu.memory_space<vmem>>) dst(%dma_wait3A_351 : memref<8x8x128xf32, #tpu.memory_space<hbm>>)
    return
  }
}

</mosaic_0001>

<sc_bundles>
// kernel: kernel.3.cloned.1.call-start
scs
__scs_entry_jumppad:
0x0: {  	(pc) =	sbr.rel $0x88, $3  }
0x1: {  	(tag) =	ssettag $0x0;
	lr =	simm.s32 $0x1  }
0x2: {  	[smem:$0x3F9F] =	sst lr;
	_ =	strace $0xD0000000  }
0x3: {  	_ = 	snop  }
0x4: {  	_ = 	snop  }
0x5: {  	_ = 	snop  }
0x6: {  	_ = 	snop  }
0x7: {  	_ = 	snop  }
__scs_overlays_trampoline_lowered:
0x8: {  	[smem:$0x3FAE] =	sst s0  }
0x9: {  	[smem:$0x3FAF] =	sst s1  }
0xa: {  	[smem:$0x3FB0] =	sst s2  }
0xb: {  	[smem:$0x3FB1] =	sst s3  }
0xc: {  	[smem:$0x3FB2] =	sst s4  }
0xd: {  	[smem:$0x3FB3] =	sst s5  }
0xe: {  	[smem:$0x3FB4] =	sst s6  }
0xf: {  	[smem:$0x3FB5] =	sst s7  }
0x10: {  	[smem:$0x3FB6] =	sst s8  }
0x11: {  	[smem:$0x3FB7] =	sst s9;
	s0 =	simm.s32 @!p0 $0x0  }
0x12: {  	s1 =	sld [smem:$0x3F9D];
	s0 =	simm.s32 @p0 $0x1  }
0x13: {  	[smem:$0x3FB8] =	sst s0;
	s0 =	simm.s32 @!p1 $0x0  }
0x14: {  	s2 =	sld [smem:$0x3F9C];
	s0 =	simm.s32 @p1 $0x1  }
0x15: {  	[smem:$0x3FB9] =	sst s0;
	s0 =	simm.s32 @!p2 $0x0  }
0x16: {  	s3 =	sld [smem:$0x3FDB];
	s0 =	simm.s32 @p2 $0x1  }
0x17: {  	s4 =	simm.s32 $0x1BF5;
	[smem:$0x3FBB] =	sst s0  }
0x18: {  	s0 =	sld [smem:$0x3F9E];
	_ =	swait.ge [sflag:s4], $0x0  }
0x19: {  	s7 =	sld [smem:$0x3F9F]  }
0x1a: {  	s8 =	sadd.s32 $0xFFFFE003, lr  }
0x1b: {  	s9 =	sadd.s32 $0xFFFFFEF7, lr;
	s5 =	simm.s32 $0xFFFFFFFF;
	p2 =	slt.u32 s8, $0xFFFFF086  }
0x1c: {  	p1 =	slt.u32 s9, $0xF7A;
	s5 =	simm.s32 @!p2 $0x0  }
0x1d: {  	s5 =	simm.s32 @p1 $0x1;
	p0 =	seq.s32 s7, s2  }
0x1e: {  	s7 =	smul.u32 @!p0 $0xF7A, s2;
	p2 =	seq.s32 @!p0 s5, $0x0  }
0x1f: {  	s9 =	smul.u32 $0xF7A, s1;
	s8 =	simm.s32 @!p0 $0x1BF5;
	p2 =	por !p2, p0  }
0x20: {  	[sflag:s8] =	ssyncset.s32 @!p0 $0xFFFFF086;
	s6 =	sadd.s32 @!p0 s3, s7;
	s7 =	simm.s32 @!p0 $0x108  }
0x21: {  	s3 =	sadd.s32 s3, s9;
	s6 =	sadd.s32 @!p0 $0x88, s6;
	s7 =	simm.s32 @p2 $0x1082  }
0x22: {  	[simem:s7], [sflag:s8] =	dma.local @!p0 [hbm:s6], $0xF7A  }
0x23: {  	s9 =	sor.u32 $0xD0000000, s2;
	s6 =	simm.s32 $0x108;
	_ =	swait.ge @!p0 [sflag:s8], $0x0  }
0x24: {  	s3 =	sadd.s32 $0x88, s3;
	s6 =	simm.s32 @!p1 $0x1082;
	[sflag:s4] =	ssyncset.s32 $0xFFFFF086  }
0x25: {  	[simem:s6], [sflag:s4] =	dma.local [hbm:s3], $0xF7A  }
0x26: {  	[smem:$0x3F9F] =	sst s1;
	(tag) =	ssettag s2;
	_ =	strace s9  }
0x27: {  	s1 =	sld [smem:$0x3FAF]  }
0x28: {  	s2 =	sld [smem:$0x3FB0]  }
0x29: {  	s4 =	sld [smem:$0x3FB2]  }
0x2a: {  	p0 =	seq.s32 s5, $0x0;
	s5 =	sld [smem:$0x3FB3]  }
0x2b: {  	s6 =	sld [smem:$0x3FB4]  }
0x2c: {  	s7 =	sld [smem:$0x3FB5]  }
0x2d: {  	s3 =	simm.s32 $0x108;
	s8 =	sld [smem:$0x3FB6]  }
0x2e: {  	s3 =	simm.s32 @!p0 $0x1082;
	s9 =	sld [smem:$0x3FB7]  }
0x2f: {  	lr =	sadd.s32 s0, s3;
	s0 =	sld [smem:$0x3FAE]  }
0x30: {  	s3 =	sld [smem:$0x3FB1]  }
0x31: {  	[smem:$0x3FBA] =	sst s10  }
0x32: {  	s10 =	sld [smem:$0x3FB8];
	_ =	sdelay $0x3  }
0x33: {  	p0 =	seq.s32 s10, $0x1;
	s10 =	sld [smem:$0x3FBA];
	_ =	sdelay $0x3  }
0x34: {  	[smem:$0x3FBA] =	sst s10  }
0x35: {  	s10 =	sld [smem:$0x3FB9];
	_ =	sdelay $0x3  }
0x36: {  	p1 =	seq.s32 s10, $0x1;
	s10 =	sld [smem:$0x3FBA];
	_ =	sdelay $0x3  }
0x37: {  	[smem:$0x3FBA] =	sst s10  }
0x38: {  	s10 =	sld [smem:$0x3FBB]  }
0x39: {  	_ = 	snop;
	(pc) =	sbr.ind lr, $3  }
0x3a: {  	_ = 	snop  }
0x3b: {  	_ = 	snop  }
0x3c: {  	p2 =	seq.s32 s10, $0x1;
	s10 =	sld [smem:$0x3FBA]  }
0x3d: {  	_ =	shalt  }
0x3e: {  	_ =	shalt  }
0x3f: {  	_ =	shalt  }
0x40: {  	_ =	shalt  }
0x41: {  	_ =	shalt  }
0x42: {  	_ =	shalt  }
0x43: {  	_ =	shalt  }
0x44: {  	_ =	shalt  }
0x45: {  	_ =	shalt  }
0x46: {  	_ =	shalt  }
0x47: {  	_ =	shalt  }
0x48: {  	_ =	shalt  }
0x49: {  	_ =	shalt  }
0x4a: {  	_ =	shalt  }
0x4b: {  	_ =	shalt  }
0x4c: {  	_ =	shalt  }
0x4d: {  	_ =	shalt  }
0x4e: {  	_ =	shalt  }
0x4f: {  	_ =	shalt  }
0x50: {  	_ =	shalt  }
0x51: {  	_ =	shalt  }
0x52: {  	_ =	shalt  }
0x53: {  	_ =	shalt  }
0x54: {  	_ =	shalt  }
0x55: {  	_ =	shalt  }
0x56: {  	_ =	shalt  }
0x57: {  	_ =	shalt  }
0x58: {  	_ =	shalt  }
0x59: {  	_ =	shalt  }
0x5a: {  	_ =	shalt  }
0x5b: {  	_ =	shalt  }
0x5c: {  	_ =	shalt  }
0x5d: {  	_ =	shalt  }
0x5e: {  	_ =	shalt  }
0x5f: {  	_ =	shalt  }
0x60: {  	_ =	shalt  }
0x61: {  	_ =	shalt  }
0x62: {  	_ =	shalt  }
0x63: {  	_ =	shalt  }
0x64: {  	_ =	shalt  }
0x65: {  	_ =	shalt  }
0x66: {  	_ =	shalt  }
0x67: {  	_ =	shalt  }
0x68: {  	_ =	shalt  }
0x69: {  	_ =	shalt  }
0x6a: {  	_ =	shalt  }
0x6b: {  	_ =	shalt  }
0x6c: {  	_ =	shalt  }
0x6d: {  	_ =	shalt  }
0x6e: {  	_ =	shalt  }
0x6f: {  	_ =	shalt  }
0x70: {  	_ =	shalt  }
0x71: {  	_ =	shalt  }
0x72: {  	_ =	shalt  }
0x73: {  	_ =	shalt  }
0x74: {  	_ =	shalt  }
0x75: {  	_ =	shalt  }
0x76: {  	_ =	shalt  }
0x77: {  	_ =	shalt  }
0x78: {  	_ =	shalt  }
0x79: {  	_ =	shalt  }
0x7a: {  	_ =	shalt  }
0x7b: {  	_ =	shalt  }
0x7c: {  	_ =	shalt  }
0x7d: {  	_ =	shalt  }
0x7e: {  	_ =	shalt  }
0x7f: {  	_ =	shalt  }
0x80: {  	_ =	shalt  }
0x81: {  	_ =	shalt  }
0x82: {  	_ =	shalt  }
0x83: {  	_ =	shalt  }
0x84: {  	_ =	shalt  }
0x85: {  	_ =	shalt  }
0x86: {  	_ =	shalt  }
0x87: {  	_ =	shalt  }
.Lfunc_end0:
.L_simem_size_0:
called_computation_lowered:
.L_overlay_start_0:
0x88: {  	s2 =	sld [smem:$0x3FD9]  }
0x89: {  	s3 =	sld [smem:$0x3FFE];
	_ =	sdelay $0x1  }
0x8a: {  	s1 =	srdreg.scid  }
0x8b: {  	s0 =	sand.u32 $0x1, s1  }
0x8c: {  	s17 =	sshll.u32 s0, $0xA;
	s2 =	sadd.s32 s3, s2  }
0x8d: {  	s2 =	sadd.s32 s2, s17  }
0x8e: {  	[smem:$0x3FC6] =	sst s2  }
0x8f: {  	_ = 	snop  }
0x90: {  	s2 =	sld [smem:$0x3FD0];
	(tm) =	ssettm $0x1  }
0x91: {  	s18 =	sld [smem:$0x3FFB];
	_ =	sdelay $0x3  }
0x92: {  	_ =	strace s18  }
0x93: {  	s3 =	sld [smem:$0x3FFC];
	_ =	sdelay $0x3  }
0x94: {  	_ =	strace s3  }
0x95: {  	s3 =	sld [smem:$0x3FFD];
	_ =	sdelay $0x3  }
0x96: {  	_ =	strace s3  }
0x97: {  	_ =	strace $0x8FFFFFFF  }
0x98: {  	s19 =	sld [smem:$0x3FDB];
	_ =	sdelay $0x1  }
0x99: {  	s4 =	simm.s32 $_scs_section_size  }
0x9a: {  	s5 =	simm.s32 $_size__tile_overlayer_lowered;
	s6 =	simm.s32 $_tile_overlayer_lowered  }
0x9b: {  	s22 =	simm.s32 $0x1BFF;
	s21 =	sshll.u32 s6, $0x1;
	s3 =	sadd.s32 s4, s19  }
0x9c: {  	s7 =	simm.s32 $0x0;
	s20 =	sshll.u32 s5, $0x1;
	s5 =	sadd.s32 s21, s3  }
0x9d: {  	[timem:s7], [sflag:s22] =	dma.local [hbm:s5], s20  }
0x9e: {  	_ =	swait.ge [sflag:s22], s20  }
0x9f: {  	s4 =	ssub.s32 $0x0, s20;
	[sflag:s22] =	ssyncset.done $0x0  }
0xa0: {  	[sflag:s22] =	ssyncadd.s32 s4;
	_ =	sdelay $0x1  }
0xa1: {  	s23 =	simm.s32 $0x1B8B  }
0xa2: {  	_ =	swait.ge [sflag:s23], $0x1  }
0xa3: {  	[sflag:s23] =	ssyncset.done $0x0  }
0xa4: {  	s25 =	simm.s32 $0x1B8E;
	s24 =	sld [smem:$0x3FFE];
	[sflag:s23] =	ssyncadd.s32 $0xFFFFFFFF  }
0xa5: {  	s26 =	simm.s32 $execute0_lowered;
	[smem:$0x3FD2] =	sst s25  }
0xa6: {  	s5 =	sshll.u32 s26, $0x1;
	_ =	strace $0x80000046;
	[dreg:$0x1] =	wrdreg $0xFFFFFFFF  }
0xa7: {  	s28 =	simm.s32 $_size_execute0_lowered;
	s3 =	sadd.s32 s3, s5;
	[dreg:$0x0] =	wrdreg $0x0  }
0xa8: {  	s5 =	sshll.u32 s28, $0x1;
	[dreg:$0x2] =	wrdreg s3  }
0xa9: {  	[dreg:$0x3] =	wrdreg s5  }
0xaa: {  	[dreg:$0x4] =	wrdreg $0xC0  }
0xab: {  	_ =	task [dreg:s7], $0x5FFFF  }
0xac: {  	[dreg:$0x1] =	wrdreg $0xFFFFFFFF  }
0xad: {  	[dreg:$0x0] =	wrdreg $0x60  }
0xae: {  	[dreg:$0x2] =	wrdreg s24  }
0xaf: {  	[dreg:$0x3] =	wrdreg s2  }
0xb0: {  	[dreg:$0x4] =	wrdreg $0x9  }
0xb1: {  	_ =	task.clear_ibuf [dreg:s7], $0x5FFFF;
	_ =	strace $0x90000046  }
0xb2: {  	s29 =	simm.s32 $0x9;
	_ =	strace $0x80000048  }
0xb3: {  	_ =	swait.ge [sflag:s29], $0x1  }
0xb4: {  	[sflag:s29] =	ssyncadd.s32 $0xFFFFFFFF  }
0xb5: {  	_ =	strace $0x90000048  }
0xb6: {  	_ =	sfence  }
0xb7: {  	s30 =	sld [smem:$0x0];
	_ =	sdelay $0x2  }
0xb8: {  	s31 =	sshll.u32 s1, $0xD;
	s1 =	sshrl.u32 s1, $0x2  }
0xb9: {  	s3 =	sand.u32 $0x4000, s31;
	s1 =	sadd.s32 s1, s30  }
0xba: {  	s0 =	sor.u32 s3, s0;
	s1 =	sshll.u32 s1, $0x11  }
0xbb: {  	s0 =	sor.u32 s1, s0  }
0xbc: {  	s0 =	sadd.s32 $0x8F2B, s0  }
0xbd: {  	[sflag:s0] =	ssyncadd.remote.s32 $0x1  }
0xbe: {  	_ =	sfence.sel $0xFFFF  }
0xbf: {  	[dreg:$0x0] =	wrdreg $0xFFFFFFFF;
	(pc) =	sbr.abs _section_cstart, $3  }
0xc0: {  	[dreg:$0x1] =	wrdreg $0xFFFFFFFF  }
0xc1: {  	_ =	task.clear_ibuf [dreg:s7], $0x2FFFF;
	_ =	strace $0x9FFFFFFF  }
0xc2: {  	(tm) =	ssettm $0x7FFFFFFF  }
0xc3: {  	_ =	shalt  }
tec
execute0_lowered:
.L_overlay_start_1:
0x0: {  	(tag) =	ssettag $0x1  }
0x1: {  	s0 =	rddreg [dreg:$0x0]  }
0x2: {  	s1 =	rddreg [dreg:$0x1];
	s2 =	simm.s32 $0x0;
	s6 =	stileid.u32  }
0x3: {  	s4 =	srdreg.scid;
	s10 =	simm.s32 $0x9;
	s11 =	simm.s32 $0x80  }
0x4: {  	s15 =	simm.s32 $0x7400;
	s17 =	simm.s32 $0x9400;
	s18 =	simm.s32 $0x1  }
0x5: {  	s19 =	simm.s32 $0xB400;
	s20 =	simm.s32 $0x2;
	s21 =	simm.s32 $0x6  }
0x6: {  	s22 =	simm.s32 $0xD600;
	s23 =	simm.s32 $0x3;
	s24 =	simm.s32 $0x7  }
0x7: {  	s25 =	simm.s32 $0xF800;
	s26 =	simm.s32 $0x4;
	s28 =	simm.s32 $0x8  }
0x8: {  	s29 =	simm.s32 $0x11A00;
	[smem:$0x7FF] =	sst s2;
	s3 =	sshll.u32 s6, $0x7  }
0x9: {  	s5 =	sand.u32 $0x1, s4;
	s6 =	sshll.u32 s6, $0xA;
	s7 =	sadd.s32 s3, s0  }
0xa: {  	s4 =	ssub.s32 $0x2, s5;
	s8 =	sshll.u32 s5, $0x9;
	s3 =	sadd.s32 $0xF42A00, s0  }
.Ltmp0:
0xb: {  	s30 =	sshrl.u32 s4, $0x1;
	s6 =	sor.u32 s8, s6;
	(pc) =	sbr.rel .LBB2_1-.Ltmp0, $4  }
0xc: {  	v0 =	vlaneseq.u32;
	s31 =	sshll.u32 s5, $0x6;
	s0 =	ssub.s32 s4, s30;
	s4 =	sadd.s32 s1, s6  }
0xd: {  	v0 =	vmul.u32 $0x88, v0;
	_ =	strace $0x80000047;
	s1 =	sadd.s32 s31, s7;
	s5 =	sadd.s32 $0x80, s4  }
0xe: {  	s6 =	sadd.s32 $0x100, s4;
	s7 =	sadd.s32 $0x180, s4;
	s0 =	smax.u32 s0, $0x1  }
0xf: {  	v1 =	vadd.s32 $0x880, v0;
	v2 =	vadd.s32 $0x1100, v0;
	v3 =	vadd.s32 $0x1980, v0;
	s9 =	sadd.s32 $0x600, s1;
	s1 =	simm.s32 $0x0;
	[dreg:$0x3] =	wrdreg s0  }
.LBB2_34:
0x10: {  	s0 =	simm.s32 $0x5  }
0x11: {  	_ =	swait.ge [sflag:s0], $0x2000  }
0x12: {  	[sflag:s0] =	ssyncset.done $0x0  }
0x13: {  	[sflag:s0] =	ssyncadd.s32 $0xFFFFE000  }
0x14: {  	_ =	swait.ge [sflag:s21], $0x2000  }
0x15: {  	[sflag:s21] =	ssyncset.done $0x0  }
0x16: {  	[sflag:s21] =	ssyncadd.s32 $0xFFFFE000  }
0x17: {  	_ =	swait.ge [sflag:s24], $0x2000  }
0x18: {  	[sflag:s24] =	ssyncset.done $0x0  }
0x19: {  	[sflag:s24] =	ssyncadd.s32 $0xFFFFE000  }
0x1a: {  	_ =	swait.ge [sflag:s28], $0x2000  }
0x1b: {  	s1 =	rddreg [dreg:$0x4]  }
0x1c: {  	s31 =	rddreg [dreg:$0x3];
	s1 =	sadd.s32 $0x1, s1  }
0x1d: {  	p0 =	sne.s32 s1, s31  }
.Ltmp1:
0x1e: {  	_ = 	snop;
	(pc) =	sbr.rel @!p0 .LBB2_35-.Ltmp1, $3  }
0x1f: {  	_ =	sdelay $0x1  }
0x20: {  	[sflag:s28] =	ssyncset.done $0x0  }
0x21: {  	[sflag:s28] =	ssyncadd.s32 $0xFFFFE000  }
.LBB2_1:
0x22: {  	[dreg:$0x4] =	wrdreg s1;
	s0 =	simm.s32 $0x0;
	s31 =	sadd.s32 $0x0, s9  }
0x23: {  	[tilespmem:s0], [sflag:$0x9] =	stream.linear.gather [hbm4b:s31+s2], $0x200, $0x38;
	[tilespmem:$0x13C00] =	vst v63  }
0x24: {  	_ =	swait.ge [sflag:s10], $0x200  }
0x25: {  	s0 =	simm.s32 $0x800;
	[sflag:s10] =	ssyncset.done $0x0  }
.LBB2_2:
0x26: {  	s1 =	sshra.s32 s0, $0x2  }
0x27: {  	s8 =	sadd.s32 s0, s9;
	[sflag:s10] =	ssyncadd.s32 $0xFFFFFE00;
	p0 =	sne.s32 s0, $0xC800  }
0x28: {  	[tilespmem:s1], [sflag:$0x9] =	stream.linear.gather [hbm4b:s8+s2], $0x200, $0x38;
	[tilespmem:$0x13C00] =	vst v63  }
.Ltmp2:
0x29: {  	_ = 	snop;
	(pc) =	sbr.rel @p0 .LBB2_2-.Ltmp2, $4  }
0x2a: {  	_ = 	snop  }
0x2b: {  	s0 =	sadd.s32 $0x800, s0  }
0x2c: {  	_ =	swait.ge [sflag:s10], $0x200  }
0x2d: {  	[sflag:s10] =	ssyncset.done $0x0  }
0x2e: {  	[sflag:s10] =	ssyncadd.s32 $0xFFFFFE00;
	s0 =	simm.s32 $0x0;
	s1 =	simm.s32 $0x3400  }
0x2f: {  	[tilespmem:s1], [sflag:$0x1] =	stream.indirect.gather [hbm4b:s3+s11], $0x40, s0, s11, $0xb8;
	[tilespmem:$0x13C00] =	vst v63  }
0x30: {  	s16 =	simm.s32 $0x5400  }
0x31: {  	[tilespmem:s16], [sflag:$0x2] =	stream.indirect.gather [hbm4b:s3+s11], $0x40, s11, s11, $0xb8;
	[tilespmem:$0x13C00] =	vst v63  }
0x32: {  	s30 =	simm.s32 $0x100  }
0x33: {  	[tilespmem:s15], [sflag:$0x3] =	stream.indirect.gather [hbm4b:s3+s11], $0x40, s30, s11, $0xb8;
	[tilespmem:$0x13C00] =	vst v63  }
0x34: {  	s31 =	simm.s32 $0x180;
	s1 =	simm.s32 $0x0  }
0x35: {  	[tilespmem:s17], [sflag:$0x4] =	stream.indirect.gather [hbm4b:s3+s11], $0x40, s31, s11, $0xb8;
	[tilespmem:$0x13C00] =	vst v63  }
.LBB2_4:
0x36: {  	_ =	swait.ge [sflag:s18], $0x2000  }
0x37: {  	p0 =	seq.s32 s1, $0x0;
	[sflag:s18] =	ssyncset.done $0x0  }
0x38: {  	s8 =	simm.s32 @!p0 $0x5;
	[sflag:s18] =	ssyncadd.s32 $0xFFFFE000  }
0x39: {  	s12 =	simm.s32 $0x3;
	_ =	swait.ge @!p0 [sflag:s8], $0x2000  }
0x3a: {  	v4 =	vmov s12;
	[sflag:s8] =	ssyncset.done @!p0 $0x0  }
0x3b: {  	s16 =	simm.s32 $0x3480;
	s14 =	simm.s32 $0x1;
	v5 =	vand.u32 $0x7F, v4;
	v4 =	vmov s0;
	[sflag:s8] =	ssyncadd.s32 @!p0 $0xFFFFE000  }
0x3c: {  	v8 =	vadd.s32 v0, v5;
	v6 =	vand.u32 $0x7C, v4;
	v4 =	vmov s14;
	v7 =	vld [tilespmem:s16+$0x40]  }
0x3d: {  	v10 =	vadd.s32 v0, v6;
	v11 =	vand.u32 $0x7D, v4;
	v9 =	vld [tilespmem:s16+$0xFFFFFF80]  }
0x3e: {  	s12 =	simm.s32 $0x2;
	v12 =	vadd.s32 v0, v11;
	v4 =	vld [tilespmem:s16+$0xFFFFFFC0]  }
0x3f: {  	v13 =	vmov s12  }
0x40: {  	v13 =	vand.u32 $0x7E, v13  }
0x41: {  	v15 =	vadd.s32 v0, v13;
	v14 =	vld [tilespmem:s16+$0x0];
	[tilespmem:v8+s19+$0x0] =	vst.idx.msk $0xffff, v7  }
0x42: {  	v8 =	vadd.s32 v1, v5;
	[tilespmem:v10+s19+$0x0] =	vst.idx.msk $0xffff, v9;
	v7 =	vld [tilespmem:s16+$0x50]  }
0x43: {  	v10 =	vadd.s32 v1, v6;
	[tilespmem:v12+s19+$0x0] =	vst.idx.msk $0xffff, v4;
	v9 =	vld [tilespmem:s16+$0xFFFFFF90]  }
0x44: {  	v12 =	vadd.s32 v1, v11;
	v4 =	vld [tilespmem:s16+$0xFFFFFFD0];
	_ =	sdelay $0x1  }
0x45: {  	[tilespmem:v15+s19+$0x0] =	vst.idx.msk $0xffff, v14  }
0x46: {  	v16 =	vadd.s32 v1, v13;
	v15 =	vld [tilespmem:s16+$0x10];
	[tilespmem:v8+s19+$0x0] =	vst.idx.msk $0xffff, v7  }
0x47: {  	s13 =	simm.s32 $0x7;
	v14 =	vadd.s32 v2, v5;
	[tilespmem:v10+s19+$0x0] =	vst.idx.msk $0xffff, v9;
	v7 =	vld [tilespmem:s16+$0x60]  }
0x48: {  	s14 =	simm.s32 $0x4;
	v10 =	vadd.s32 v2, v6;
	v8 =	vmov s13;
	[tilespmem:v12+s19+$0x0] =	vst.idx.msk $0xffff, v4;
	v9 =	vld [tilespmem:s16+$0xFFFFFFA0]  }
0x49: {  	v17 =	vadd.s32 v2, v11;
	v4 =	vmov s14;
	s14 =	simm.s32 $0x3580;
	v8 =	vand.u32 $0x7F, v8;
	v12 =	vld [tilespmem:s16+$0xFFFFFFE0]  }
0x4a: {  	v18 =	vld [tilespmem:s14+$0x40];
	v19 =	vadd.s32 v0, v8  }
0x4b: {  	s12 =	simm.s32 $0x5;
	[tilespmem:v16+s19+$0x0] =	vst.idx.msk $0xffff, v15  }
0x4c: {  	v22 =	vmov s12;
	v4 =	vand.u32 $0x7C, v4;
	[tilespmem:v14+s19+$0x0] =	vst.idx.msk $0xffff, v7  }
0x4d: {  	s13 =	simm.s32 $0x6;
	v20 =	vld [tilespmem:s14+$0xFFFFFF80];
	v21 =	vadd.s32 v0, v4;
	v7 =	vand.u32 $0x7D, v22;
	[tilespmem:v10+s19+$0x0] =	vst.idx.msk $0xffff, v9  }
0x4e: {  	v14 =	vmov s13;
	v9 =	vld [tilespmem:s14+$0xFFFFFFC0];
	[tilespmem:v17+s19+$0x0] =	vst.idx.msk $0xffff, v12;
	v10 =	vadd.s32 v0, v7  }
0x4f: {  	v16 =	vadd.s32 v3, v5;
	v12 =	vld [tilespmem:s16+$0x20];
	v5 =	vand.u32 $0x7E, v14;
	[tilespmem:v19+s19+$0x0] =	vst.idx.msk $0xffff, v18;
	v18 =	vadd.s32 v2, v13  }
0x50: {  	v14 =	vld [tilespmem:s14+$0x0];
	v63 =	vadd.s32 v0, v5  }
0x51: {  	v15 =	vld [tilespmem:s16+$0x70]  }
0x52: {  	[tilespmem:v21+s19+$0x0] =	vst.idx.msk $0xffff, v20;
	v20 =	vadd.s32 v1, v8;
	v19 =	vld [tilespmem:s14+$0x50]  }
0x53: {  	v23 =	vadd.s32 v1, v4;
	v21 =	vld [tilespmem:s14+$0xFFFFFF90];
	[tilespmem:v10+s19+$0x0] =	vst.idx.msk $0xffff, v9  }
0x54: {  	v25 =	vadd.s32 v3, v11;
	v24 =	vld [tilespmem:s16+$0xFFFFFFF0];
	[tilespmem:v18+s19+$0x0] =	vst.idx.msk $0xffff, v12  }
0x55: {  	v18 =	vadd.s32 v1, v7;
	v17 =	vld [tilespmem:s14+$0xFFFFFFD0];
	[tilespmem:v63+s19+$0x0] =	vst.idx.msk $0xffff, v14  }
0x56: {  	[tilespmem:v16+s19+$0x0] =	vst.idx.msk $0xffff, v15;
	v16 =	vadd.s32 v1, v5;
	v15 =	vld [tilespmem:s14+$0x10]  }
0x57: {  	[tilespmem:v20+s19+$0x0] =	vst.idx.msk $0xffff, v19;
	v11 =	vld [tilespmem:s16+$0x30];
	v14 =	vadd.s32 v3, v13  }
0x58: {  	v12 =	vadd.s32 v2, v8;
	[tilespmem:v23+s19+$0x0] =	vst.idx.msk $0xffff, v21;
	v9 =	vld [tilespmem:s14+$0x60]  }
0x59: {  	s31 =	simm.s32 $0xB;
	s30 =	simm.s32 $0xC;
	s8 =	simm.s32 $0x8;
	[tilespmem:v25+s19+$0x0] =	vst.idx.msk $0xffff, v24;
	v13 =	vadd.s32 v2, v4;
	v10 =	vld [tilespmem:s14+$0xFFFFFFA0]  }
.LBB2_5:
0x5a: {  	p1 =	slt.u32 s30, $0x7C;
	v19 =	vmov s31;
	[tilespmem:v18+s19+$0x0] =	vst.idx.msk $0xffff, v17;
	v17 =	vld [tilespmem:s16+$0xFFFFFFB0];
	v18 =	vadd.s32 v3, v6;
	v6 =	vmov v4;
	s16 =	smov.u32 s14  }
0x5b: {  	v4 =	vmov s8;
	v21 =	vadd.s32 v2, v7;
	s14 =	sadd.s32 $0x100, s14;
	v19 =	vand.u32 $0x7F, v19;
	v20 =	vld [tilespmem:s16+$0xFFFFFFE0];
	[tilespmem:v16+s19+$0x0] =	vst.idx.msk $0xffff, v15  }
0x5c: {  	s12 =	sadd.s32 $0x1, s8;
	v4 =	vand.u32 $0x7C, v4;
	v15 =	vld [tilespmem:s14+$0x40];
	v16 =	vadd.s32 v0, v19;
	[tilespmem:v14+s19+$0x0] =	vst.idx.msk $0xffff, v11  }
0x5d: {  	v22 =	vmov s12;
	s12 =	sadd.s32 $0x2, s8;
	s8 =	smov.u32 s30;
	v14 =	vadd.s32 v0, v4;
	v11 =	vld [tilespmem:s14+$0xFFFFFF80];
	[tilespmem:v12+s19+$0x0] =	vst.idx.msk $0xffff, v9  }
0x5e: {  	v9 =	vand.u32 $0x7D, v22;
	v12 =	vmov s12;
	[tilespmem:v13+s19+$0x0] =	vst.idx.msk $0xffff, v10;
	v10 =	vld [tilespmem:s16+$0x70];
	v13 =	vadd.s32 v3, v8;
	v8 =	vmovc v19  }
0x5f: {  	v22 =	vadd.s32 v0, v9;
	v12 =	vand.u32 $0x7E, v12;
	v19 =	vld [tilespmem:s14+$0xFFFFFFC0];
	[tilespmem:v18+s19+$0x0] =	vst.idx.msk $0xffff, v17  }
0x60: {  	v24 =	vadd.s32 v0, v12;
	v23 =	vld [tilespmem:s14+$0x0];
	[tilespmem:v21+s19+$0x0] =	vst.idx.msk $0xffff, v20  }
0x61: {  	v21 =	vadd.s32 v2, v5;
	[tilespmem:v16+s19+$0x0] =	vst.idx.msk $0xffff, v15;
	v20 =	vld [tilespmem:s16+$0x20]  }
0x62: {  	[tilespmem:v14+s19+$0x0] =	vst.idx.msk $0xffff, v11;
	v11 =	vld [tilespmem:s14+$0x50];
	v14 =	vadd.s32 v1, v8  }
0x63: {  	v26 =	vadd.s32 v1, v4;
	v25 =	vld [tilespmem:s14+$0xFFFFFF90];
	[tilespmem:v13+s19+$0x0] =	vst.idx.msk $0xffff, v10  }
0x64: {  	[tilespmem:v22+s19+$0x0] =	vst.idx.msk $0xffff, v19;
	v19 =	vld [tilespmem:s16+$0xFFFFFFF0];
	v22 =	vadd.s32 v3, v7;
	v7 =	vmov v9  }
.Ltmp3:
0x65: {  	v17 =	vld [tilespmem:s14+$0xFFFFFFD0];
	v18 =	vadd.s32 v1, v7;
	[tilespmem:v24+s19+$0x0] =	vst.idx.msk $0xffff, v23;
	(pc) =	sbr.rel @p1 .LBB2_5-.Ltmp3, $4  }
0x66: {  	v16 =	vadd.s32 v1, v12;
	v15 =	vld [tilespmem:s14+$0x10];
	[tilespmem:v21+s19+$0x0] =	vst.idx.msk $0xffff, v20  }
0x67: {  	[tilespmem:v14+s19+$0x0] =	vst.idx.msk $0xffff, v11;
	v11 =	vld [tilespmem:s16+$0x30];
	v14 =	vadd.s32 v3, v5;
	v5 =	vmov v12  }
0x68: {  	v12 =	vadd.s32 v2, v8;
	[tilespmem:v26+s19+$0x0] =	vst.idx.msk $0xffff, v25;
	v9 =	vld [tilespmem:s14+$0x60]  }
0x69: {  	s30 =	sadd.s32 $0x4, s30;
	s31 =	sadd.s32 $0x3, s8;
	v13 =	vadd.s32 v2, v4;
	v10 =	vld [tilespmem:s14+$0xFFFFFFA0];
	[tilespmem:v22+s19+$0x0] =	vst.idx.msk $0xffff, v19  }
0x6a: {  	_ =	sdelay $0x2  }
0x6b: {  	v19 =	vmov s31  }
0x6c: {  	s12 =	sadd.s32 $0x1, s8;
	[tilespmem:v18+s19+$0x0] =	vst.idx.msk $0xffff, v17;
	v30 =	vld [tilespmem:s16+$0xFFFFFFB0];
	v6 =	vadd.s32 v3, v6;
	s16 =	sadd.s32 $0x100, s14;
	v21 =	vmov s8;
	v31 =	vand.u32 $0x7F, v19  }
0x6d: {  	s13 =	sadd.s32 $0x2, s8;
	v32 =	vmov s12;
	[tilespmem:v16+s19+$0x0] =	vst.idx.msk $0xffff, v15;
	v33 =	vld [tilespmem:s16+$0x40];
	v21 =	vand.u32 $0x7C, v21;
	v34 =	vadd.s32 v0, v31  }
0x6e: {  	v20 =	vmov s13;
	v22 =	vld [tilespmem:s16+$0xFFFFFF80];
	v19 =	vand.u32 $0x7D, v32;
	[tilespmem:v14+s19+$0x0] =	vst.idx.msk $0xffff, v11;
	v39 =	vadd.s32 v0, v21  }
0x6f: {  	v35 =	vld [tilespmem:s16+$0xFFFFFFC0];
	v20 =	vand.u32 $0x7E, v20;
	v36 =	vadd.s32 v0, v19;
	[tilespmem:v12+s19+$0x0] =	vst.idx.msk $0xffff, v9  }
0x70: {  	v37 =	vld [tilespmem:s16+$0x0];
	v38 =	vadd.s32 v0, v20;
	[tilespmem:v13+s19+$0x0] =	vst.idx.msk $0xffff, v10  }
0x71: {  	v41 =	vadd.s32 v2, v7;
	v40 =	vld [tilespmem:s14+$0xFFFFFFE0];
	[tilespmem:v6+s19+$0x0] =	vst.idx.msk $0xffff, v30  }
0x72: {  	v49 =	vadd.s32 v2, v5;
	v48 =	vld [tilespmem:s14+$0x20];
	[tilespmem:v34+s19+$0x0] =	vst.idx.msk $0xffff, v33  }
0x73: {  	v43 =	vadd.s32 v1, v31;
	[tilespmem:v39+s19+$0x0] =	vst.idx.msk $0xffff, v22;
	v15 =	vld [tilespmem:s16+$0x50]  }
0x74: {  	v47 =	vadd.s32 v1, v21;
	[tilespmem:v36+s19+$0x0] =	vst.idx.msk $0xffff, v35;
	v46 =	vld [tilespmem:s16+$0xFFFFFF90]  }
0x75: {  	v44 =	vadd.s32 v1, v19;
	[tilespmem:v38+s19+$0x0] =	vst.idx.msk $0xffff, v37;
	v11 =	vld [tilespmem:s16+$0xFFFFFFD0]  }
0x76: {  	v45 =	vadd.s32 v1, v20;
	[tilespmem:v41+s19+$0x0] =	vst.idx.msk $0xffff, v40;
	v9 =	vld [tilespmem:s16+$0x10]  }
0x77: {  	v8 =	vadd.s32 v3, v8;
	v42 =	vld [tilespmem:s14+$0x70];
	[tilespmem:v49+s19+$0x0] =	vst.idx.msk $0xffff, v48  }
0x78: {  	v5 =	vadd.s32 v3, v5;
	v13 =	vld [tilespmem:s14+$0x30];
	[tilespmem:v43+s19+$0x0] =	vst.idx.msk $0xffff, v15  }
0x79: {  	v52 =	vadd.s32 v2, v31;
	[tilespmem:v47+s19+$0x0] =	vst.idx.msk $0xffff, v46;
	v15 =	vld [tilespmem:s16+$0x60]  }
0x7a: {  	v57 =	vadd.s32 v2, v21;
	[tilespmem:v44+s19+$0x0] =	vst.idx.msk $0xffff, v11;
	v56 =	vld [tilespmem:s16+$0xFFFFFFA0]  }
0x7b: {  	v53 =	vadd.s32 v2, v19;
	[tilespmem:v45+s19+$0x0] =	vst.idx.msk $0xffff, v9;
	v11 =	vld [tilespmem:s16+$0xFFFFFFE0]  }
0x7c: {  	v55 =	vadd.s32 v2, v20;
	[tilespmem:v8+s19+$0x0] =	vst.idx.msk $0xffff, v42;
	v54 =	vld [tilespmem:s16+$0x20]  }
0x7d: {  	v4 =	vadd.s32 v3, v4;
	v58 =	vld [tilespmem:s14+$0xFFFFFFB0];
	[tilespmem:v5+s19+$0x0] =	vst.idx.msk $0xffff, v13  }
0x7e: {  	v51 =	vadd.s32 v3, v7;
	v50 =	vld [tilespmem:s14+$0xFFFFFFF0];
	[tilespmem:v52+s19+$0x0] =	vst.idx.msk $0xffff, v15  }
0x7f: {  	v60 =	vadd.s32 v3, v31;
	[tilespmem:v57+s19+$0x0] =	vst.idx.msk $0xffff, v56;
	v59 =	vld [tilespmem:s16+$0x70]  }
0x80: {  	v63 =	vadd.s32 v3, v21;
	[tilespmem:v53+s19+$0x0] =	vst.idx.msk $0xffff, v11;
	v5 =	vld [tilespmem:s16+$0xFFFFFFB0]  }
0x81: {  	v61 =	vadd.s32 v3, v19;
	[tilespmem:v55+s19+$0x0] =	vst.idx.msk $0xffff, v54;
	v11 =	vld [tilespmem:s16+$0xFFFFFFF0]  }
0x82: {  	v62 =	vadd.s32 v3, v20;
	[tilespmem:v4+s19+$0x0] =	vst.idx.msk $0xffff, v58;
	v6 =	vld [tilespmem:s16+$0x30]  }
0x83: {  	[tilespmem:v51+s19+$0x0] =	vst.idx.msk $0xffff, v50  }
0x84: {  	[tilespmem:v60+s19+$0x0] =	vst.idx.msk $0xffff, v59  }
0x85: {  	[tilespmem:v63+s19+$0x0] =	vst.idx.msk $0xffff, v5  }
0x86: {  	s14 =	sshll.u32 s1, $0x11;
	[tilespmem:v61+s19+$0x0] =	vst.idx.msk $0xffff, v11  }
0x87: {  	s13 =	simm.s32 $0xB400;
	s16 =	sadd.s32 s14, s4;
	[tilespmem:v62+s19+$0x0] =	vst.idx.msk $0xffff, v6  }
0x88: {  	[hbm4b:s16+s2] =	stream.linear.scatter [tilespmem:s13], [sflag:$0x5], $0x80, $0x38;
	[tilespmem:$0x13C00] =	vst v63  }
0x89: {  	s12 =	simm.s32 $0xB488;
	s13 =	sadd.s32 $0x10, s16  }
0x8a: {  	[hbm4b:s13+s2] =	stream.linear.scatter [tilespmem:s12], [sflag:$0x5], $0x80, $0x38;
	[tilespmem:$0x13C00] =	vst v63  }
0x8b: {  	s12 =	simm.s32 $0xB510;
	s13 =	sadd.s32 $0x20, s16  }
0x8c: {  	[hbm4b:s13+s2] =	stream.linear.scatter [tilespmem:s12], [sflag:$0x5], $0x80, $0x38;
	[tilespmem:$0x13C00] =	vst v63  }
0x8d: {  	s12 =	simm.s32 $0xB598;
	s13 =	sadd.s32 $0x30, s16  }
0x8e: {  	[hbm4b:s13+s2] =	stream.linear.scatter [tilespmem:s12], [sflag:$0x5], $0x80, $0x38;
	[tilespmem:$0x13C00] =	vst v63  }
0x8f: {  	s12 =	simm.s32 $0xB620;
	s13 =	sadd.s32 $0x40, s16  }
0x90: {  	[hbm4b:s13+s2] =	stream.linear.scatter [tilespmem:s12], [sflag:$0x5], $0x80, $0x38;
	[tilespmem:$0x13C00] =	vst v63  }
0x91: {  	s8 =	simm.s32 $0x440;
	s12 =	simm.s32 $0xB6A8;
	s13 =	sadd.s32 $0x50, s16  }
0x92: {  	[hbm4b:s13+s2] =	stream.linear.scatter [tilespmem:s12], [sflag:$0x5], $0x80, $0x38;
	[tilespmem:$0x13C00] =	vst v63  }
0x93: {  	s30 =	simm.s32 $0x2200;
	s12 =	simm.s32 $0xB730;
	s13 =	sadd.s32 $0x60, s16  }
0x94: {  	[hbm4b:s13+s2] =	stream.linear.scatter [tilespmem:s12], [sflag:$0x5], $0x80, $0x38;
	[tilespmem:$0x13C00] =	vst v63  }
0x95: {  	s31 =	sadd.s32 $0x70, s16;
	s16 =	sadd.s32 $0x4000, s16;
	s12 =	simm.s32 $0xB7B8  }
.LBB2_7:
0x96: {  	[hbm4b:s31+s2] =	stream.linear.scatter [tilespmem:s12], [sflag:$0x5], $0x80, $0x38;
	[tilespmem:$0x13C00] =	vst v63  }
0x97: {  	s12 =	smov.u32 s8;
	s8 =	smov.u32 s30  }
0x98: {  	s13 =	sadd.s32 $0x1100, s30;
	s8 =	sshra.s32 s8, $0x2;
	s31 =	sadd.s32 $0xB400, s12  }
0x99: {  	[hbm4b:s16+s2] =	stream.linear.scatter [tilespmem:s31], [sflag:$0x5], $0x80, $0x38;
	[tilespmem:$0x13C00] =	vst v63  }
0x9a: {  	p1 =	sne.s32 s30, $0x7700;
	s30 =	sadd.s32 $0xB488, s12;
	s31 =	sadd.s32 $0x10, s16  }
0x9b: {  	[hbm4b:s31+s2] =	stream.linear.scatter [tilespmem:s30], [sflag:$0x5], $0x80, $0x38;
	[tilespmem:$0x13C00] =	vst v63  }
0x9c: {  	s30 =	sadd.s32 $0xB510, s12;
	s31 =	sadd.s32 $0x20, s16  }
0x9d: {  	[hbm4b:s31+s2] =	stream.linear.scatter [tilespmem:s30], [sflag:$0x5], $0x80, $0x38;
	[tilespmem:$0x13C00] =	vst v63  }
0x9e: {  	s30 =	sadd.s32 $0xB598, s12;
	s31 =	sadd.s32 $0x30, s16  }
0x9f: {  	[hbm4b:s31+s2] =	stream.linear.scatter [tilespmem:s30], [sflag:$0x5], $0x80, $0x38;
	[tilespmem:$0x13C00] =	vst v63  }
0xa0: {  	s30 =	sadd.s32 $0xB620, s12;
	s31 =	sadd.s32 $0x40, s16  }
0xa1: {  	[hbm4b:s31+s2] =	stream.linear.scatter [tilespmem:s30], [sflag:$0x5], $0x80, $0x38;
	[tilespmem:$0x13C00] =	vst v63  }
.Ltmp4:
0xa2: {  	s30 =	sadd.s32 $0xB6A8, s12;
	s31 =	sadd.s32 $0x50, s16;
	(pc) =	sbr.rel @p1 .LBB2_7-.Ltmp4, $4  }
0xa3: {  	[hbm4b:s31+s2] =	stream.linear.scatter [tilespmem:s30], [sflag:$0x5], $0x80, $0x38;
	[tilespmem:$0x13C00] =	vst v63  }
0xa4: {  	s30 =	sadd.s32 $0xB730, s12;
	s31 =	sadd.s32 $0x60, s16;
	s12 =	sadd.s32 $0xB7B8, s12  }
0xa5: {  	[hbm4b:s31+s2] =	stream.linear.scatter [tilespmem:s30], [sflag:$0x5], $0x80, $0x38;
	[tilespmem:$0x13C00] =	vst v63  }
0xa6: {  	s31 =	sadd.s32 $0x70, s16;
	s16 =	sadd.s32 $0x4000, s16;
	s30 =	smov.u32 s13  }
0xa7: {  	[hbm4b:s31+s2] =	stream.linear.scatter [tilespmem:s12], [sflag:$0x5], $0x80, $0x38;
	[tilespmem:$0x13C00] =	vst v63  }
0xa8: {  	s30 =	sadd.s32 $0xB400, s8  }
0xa9: {  	[hbm4b:s16+s2] =	stream.linear.scatter [tilespmem:s30], [sflag:$0x5], $0x80, $0x38;
	[tilespmem:$0x13C00] =	vst v63  }
0xaa: {  	s31 =	sadd.s32 $0xB488, s8;
	s13 =	sadd.s32 $0x10, s16  }
0xab: {  	[hbm4b:s13+s2] =	stream.linear.scatter [tilespmem:s31], [sflag:$0x5], $0x80, $0x38;
	[tilespmem:$0x13C00] =	vst v63  }
0xac: {  	s30 =	sadd.s32 $0xB510, s8;
	s31 =	sadd.s32 $0x20, s16  }
0xad: {  	[hbm4b:s31+s2] =	stream.linear.scatter [tilespmem:s30], [sflag:$0x5], $0x80, $0x38;
	[tilespmem:$0x13C00] =	vst v63  }
0xae: {  	s30 =	sadd.s32 $0xB598, s8;
	s31 =	sadd.s32 $0x30, s16  }
0xaf: {  	[hbm4b:s31+s2] =	stream.linear.scatter [tilespmem:s30], [sflag:$0x5], $0x80, $0x38;
	[tilespmem:$0x13C00] =	vst v63  }
0xb0: {  	s30 =	sadd.s32 $0xB620, s8;
	s31 =	sadd.s32 $0x40, s16  }
0xb1: {  	[hbm4b:s31+s2] =	stream.linear.scatter [tilespmem:s30], [sflag:$0x5], $0x80, $0x38;
	[tilespmem:$0x13C00] =	vst v63  }
0xb2: {  	p1 =	sne.s32 s1, $0x19;
	s30 =	sadd.s32 $0xB6A8, s8;
	s31 =	sadd.s32 $0x50, s16  }
0xb3: {  	[hbm4b:s31+s2] =	stream.linear.scatter [tilespmem:s30], [sflag:$0x5], $0x80, $0x38;
	[tilespmem:$0x13C00] =	vst v63  }
.Ltmp5:
0xb4: {  	_ = 	snop;
	(pc) =	sbr.rel @p1 .LBB2_10-.Ltmp5, $4  }
0xb5: {  	s30 =	sadd.s32 $0xB730, s8;
	s31 =	sadd.s32 $0x60, s16  }
0xb6: {  	[hbm4b:s31+s2] =	stream.linear.scatter [tilespmem:s30], [sflag:$0x5], $0x80, $0x38;
	[tilespmem:$0x13C00] =	vst v63  }
0xb7: {  	s30 =	sadd.s32 $0xB7B8, s8;
	s31 =	sadd.s32 $0x70, s16  }
0xb8: {  	[hbm4b:s31+s2] =	stream.linear.scatter [tilespmem:s30], [sflag:$0x5], $0x80, $0x38;
	[tilespmem:$0x13C00] =	vst v63  }
.Ltmp6:
0xb9: {  	(pc) =	sbr.rel .LBB2_11-.Ltmp6, $4  }
0xba: {  	_ = 	snop  }
0xbb: {  	_ =	swait.ge [sflag:s20], $0x2000  }
0xbc: {  	[sflag:s20] =	ssyncset.done $0x0  }
0xbd: {  	[sflag:s20] =	ssyncadd.s32 $0xFFFFE000  }
.LBB2_10:
0xbe: {  	s8 =	sshll.u32 s1, $0x9  }
0xbf: {  	s8 =	sand.u32 $0x3FFFFE00, s8  }
.Ltmp7:
0xc0: {  	s12 =	simm.s32 $0x3400;
	s8 =	sadd.s32 $0x200, s8;
	(pc) =	sbr.rel @p0 .LBB2_12-.Ltmp7, $4  }
0xc1: {  	[tilespmem:s12], [sflag:$0x1] =	stream.indirect.gather [hbm4b:s3+s11], $0x40, s8, s11, $0xb8;
	[tilespmem:$0x13C00] =	vst v63  }
0xc2: {  	_ =	swait.ge [sflag:s20], $0x2000  }
0xc3: {  	[sflag:s20] =	ssyncset.done $0x0  }
0xc4: {  	[sflag:s20] =	ssyncadd.s32 $0xFFFFE000  }
.LBB2_11:
0xc5: {  	_ =	swait.ge [sflag:s21], $0x2000  }
0xc6: {  	[sflag:s21] =	ssyncset.done $0x0  }
0xc7: {  	[sflag:s21] =	ssyncadd.s32 $0xFFFFE000  }
.LBB2_12:
0xc8: {  	s8 =	simm.s32 $0x3  }
0xc9: {  	s12 =	simm.s32 $0x0;
	v4 =	vmov s8  }
0xca: {  	s8 =	simm.s32 $0x5480;
	v5 =	vand.u32 $0x7F, v4;
	v4 =	vmov s12  }
0xcb: {  	s16 =	simm.s32 $0x1;
	v7 =	vld [tilespmem:s8+$0x40];
	v8 =	vadd.s32 v0, v5;
	v6 =	vand.u32 $0x7C, v4  }
0xcc: {  	v9 =	vld [tilespmem:s8+$0xFFFFFF80];
	v4 =	vmov s16;
	v10 =	vadd.s32 v0, v6  }
0xcd: {  	s13 =	simm.s32 $0x2;
	v11 =	vand.u32 $0x7D, v4  }
0xce: {  	v13 =	vmov s13;
	v4 =	vld [tilespmem:s8+$0xFFFFFFC0];
	v12 =	vadd.s32 v0, v11  }
0xcf: {  	v13 =	vand.u32 $0x7E, v13  }
0xd0: {  	v14 =	vld [tilespmem:s8+$0x0];
	v15 =	vadd.s32 v0, v13;
	[tilespmem:v8+s22+$0x0] =	vst.idx.msk $0xffff, v7  }
0xd1: {  	v8 =	vadd.s32 v1, v5;
	v7 =	vld [tilespmem:s8+$0x50];
	[tilespmem:v10+s22+$0x0] =	vst.idx.msk $0xffff, v9  }
0xd2: {  	v10 =	vadd.s32 v1, v6;
	v9 =	vld [tilespmem:s8+$0xFFFFFF90]  }
0xd3: {  	[tilespmem:v12+s22+$0x0] =	vst.idx.msk $0xffff, v4  }
0xd4: {  	v12 =	vadd.s32 v1, v11;
	v4 =	vld [tilespmem:s8+$0xFFFFFFD0]  }
0xd5: {  	[tilespmem:v15+s22+$0x0] =	vst.idx.msk $0xffff, v14  }
0xd6: {  	v16 =	vadd.s32 v1, v13;
	s16 =	simm.s32 $0x7;
	v15 =	vld [tilespmem:s8+$0x10];
	[tilespmem:v8+s22+$0x0] =	vst.idx.msk $0xffff, v7  }
0xd7: {  	v14 =	vadd.s32 v2, v5;
	v8 =	vmov s16;
	v7 =	vld [tilespmem:s8+$0x60];
	[tilespmem:v10+s22+$0x0] =	vst.idx.msk $0xffff, v9  }
0xd8: {  	s16 =	simm.s32 $0x5580;
	v10 =	vadd.s32 v2, v6;
	v8 =	vand.u32 $0x7F, v8;
	v9 =	vld [tilespmem:s8+$0xFFFFFFA0]  }
0xd9: {  	s13 =	simm.s32 $0x4;
	v18 =	vld [tilespmem:s16+$0x40];
	[tilespmem:v12+s22+$0x0] =	vst.idx.msk $0xffff, v4;
	v19 =	vadd.s32 v0, v8  }
0xda: {  	v17 =	vadd.s32 v2, v11;
	v4 =	vmov s13;
	s13 =	simm.s32 $0x5;
	v12 =	vld [tilespmem:s8+$0xFFFFFFE0]  }
0xdb: {  	[tilespmem:v16+s22+$0x0] =	vst.idx.msk $0xffff, v15;
	v4 =	vand.u32 $0x7C, v4;
	v22 =	vmov s13;
	s13 =	simm.s32 $0x6  }
0xdc: {  	v20 =	vld [tilespmem:s16+$0xFFFFFF80];
	v21 =	vadd.s32 v0, v4;
	[tilespmem:v14+s22+$0x0] =	vst.idx.msk $0xffff, v7;
	v7 =	vand.u32 $0x7D, v22;
	v14 =	vmov s13  }
0xdd: {  	v16 =	vadd.s32 v3, v5;
	[tilespmem:v10+s22+$0x0] =	vst.idx.msk $0xffff, v9;
	v9 =	vld [tilespmem:s16+$0xFFFFFFC0];
	v10 =	vadd.s32 v0, v7;
	v5 =	vand.u32 $0x7E, v14  }
0xde: {  	v14 =	vld [tilespmem:s16+$0x0];
	[tilespmem:v19+s22+$0x0] =	vst.idx.msk $0xffff, v18;
	v63 =	vadd.s32 v0, v5  }
0xdf: {  	v18 =	vadd.s32 v2, v13;
	[tilespmem:v17+s22+$0x0] =	vst.idx.msk $0xffff, v12;
	v12 =	vld [tilespmem:s8+$0x20]  }
0xe0: {  	v15 =	vld [tilespmem:s8+$0x70]  }
0xe1: {  	v19 =	vld [tilespmem:s16+$0x50];
	[tilespmem:v21+s22+$0x0] =	vst.idx.msk $0xffff, v20;
	v20 =	vadd.s32 v1, v8  }
0xe2: {  	v23 =	vadd.s32 v1, v4;
	v21 =	vld [tilespmem:s16+$0xFFFFFF90];
	[tilespmem:v10+s22+$0x0] =	vst.idx.msk $0xffff, v9  }
0xe3: {  	v25 =	vadd.s32 v3, v11;
	v24 =	vld [tilespmem:s8+$0xFFFFFFF0];
	[tilespmem:v63+s22+$0x0] =	vst.idx.msk $0xffff, v14  }
0xe4: {  	v17 =	vld [tilespmem:s16+$0xFFFFFFD0];
	[tilespmem:v18+s22+$0x0] =	vst.idx.msk $0xffff, v12;
	v18 =	vadd.s32 v1, v7  }
0xe5: {  	[tilespmem:v16+s22+$0x0] =	vst.idx.msk $0xffff, v15;
	v16 =	vadd.s32 v1, v5;
	v15 =	vld [tilespmem:s16+$0x10]  }
0xe6: {  	v14 =	vadd.s32 v3, v13;
	[tilespmem:v20+s22+$0x0] =	vst.idx.msk $0xffff, v19;
	v11 =	vld [tilespmem:s8+$0x30]  }
0xe7: {  	v12 =	vadd.s32 v2, v8;
	[tilespmem:v23+s22+$0x0] =	vst.idx.msk $0xffff, v21;
	v9 =	vld [tilespmem:s16+$0x60]  }
0xe8: {  	s30 =	simm.s32 $0x8;
	s31 =	simm.s32 $0xC;
	s12 =	simm.s32 $0xB;
	v13 =	vadd.s32 v2, v4;
	[tilespmem:v25+s22+$0x0] =	vst.idx.msk $0xffff, v24;
	v10 =	vld [tilespmem:s16+$0xFFFFFFA0]  }
.LBB2_13:
0xe9: {  	p2 =	slt.u32 s31, $0x7C;
	v19 =	vmov s12;
	[tilespmem:v18+s22+$0x0] =	vst.idx.msk $0xffff, v17;
	v17 =	vld [tilespmem:s8+$0xFFFFFFB0];
	v18 =	vadd.s32 v3, v6;
	v6 =	vmov v4;
	s8 =	smov.u32 s16  }
0xea: {  	v4 =	vmov s30;
	v21 =	vadd.s32 v2, v7;
	s16 =	sadd.s32 $0x100, s16;
	v19 =	vand.u32 $0x7F, v19;
	v20 =	vld [tilespmem:s8+$0xFFFFFFE0];
	[tilespmem:v16+s22+$0x0] =	vst.idx.msk $0xffff, v15  }
0xeb: {  	s12 =	sadd.s32 $0x1, s30;
	v4 =	vand.u32 $0x7C, v4;
	v15 =	vld [tilespmem:s16+$0x40];
	v16 =	vadd.s32 v0, v19;
	[tilespmem:v14+s22+$0x0] =	vst.idx.msk $0xffff, v11  }
0xec: {  	v22 =	vmov s12;
	s12 =	sadd.s32 $0x2, s30;
	s30 =	smov.u32 s31;
	v14 =	vadd.s32 v0, v4;
	v11 =	vld [tilespmem:s16+$0xFFFFFF80];
	[tilespmem:v12+s22+$0x0] =	vst.idx.msk $0xffff, v9  }
0xed: {  	v9 =	vand.u32 $0x7D, v22;
	v12 =	vmov s12;
	[tilespmem:v13+s22+$0x0] =	vst.idx.msk $0xffff, v10;
	v10 =	vld [tilespmem:s8+$0x70];
	v13 =	vadd.s32 v3, v8;
	v8 =	vmovc v19  }
0xee: {  	v22 =	vadd.s32 v0, v9;
	v12 =	vand.u32 $0x7E, v12;
	v19 =	vld [tilespmem:s16+$0xFFFFFFC0];
	[tilespmem:v18+s22+$0x0] =	vst.idx.msk $0xffff, v17  }
0xef: {  	v24 =	vadd.s32 v0, v12;
	v23 =	vld [tilespmem:s16+$0x0];
	[tilespmem:v21+s22+$0x0] =	vst.idx.msk $0xffff, v20  }
0xf0: {  	v21 =	vadd.s32 v2, v5;
	[tilespmem:v16+s22+$0x0] =	vst.idx.msk $0xffff, v15;
	v20 =	vld [tilespmem:s8+$0x20]  }
0xf1: {  	[tilespmem:v14+s22+$0x0] =	vst.idx.msk $0xffff, v11;
	v11 =	vld [tilespmem:s16+$0x50];
	v14 =	vadd.s32 v1, v8  }
0xf2: {  	v26 =	vadd.s32 v1, v4;
	v25 =	vld [tilespmem:s16+$0xFFFFFF90];
	[tilespmem:v13+s22+$0x0] =	vst.idx.msk $0xffff, v10  }
0xf3: {  	[tilespmem:v22+s22+$0x0] =	vst.idx.msk $0xffff, v19;
	v19 =	vld [tilespmem:s8+$0xFFFFFFF0];
	v22 =	vadd.s32 v3, v7;
	v7 =	vmov v9  }
.Ltmp8:
0xf4: {  	v17 =	vld [tilespmem:s16+$0xFFFFFFD0];
	v18 =	vadd.s32 v1, v7;
	[tilespmem:v24+s22+$0x0] =	vst.idx.msk $0xffff, v23;
	(pc) =	sbr.rel @p2 .LBB2_13-.Ltmp8, $4  }
0xf5: {  	v16 =	vadd.s32 v1, v12;
	v15 =	vld [tilespmem:s16+$0x10];
	[tilespmem:v21+s22+$0x0] =	vst.idx.msk $0xffff, v20  }
0xf6: {  	[tilespmem:v14+s22+$0x0] =	vst.idx.msk $0xffff, v11;
	v11 =	vld [tilespmem:s8+$0x30];
	v14 =	vadd.s32 v3, v5;
	v5 =	vmov v12  }
0xf7: {  	v12 =	vadd.s32 v2, v8;
	[tilespmem:v26+s22+$0x0] =	vst.idx.msk $0xffff, v25;
	v9 =	vld [tilespmem:s16+$0x60]  }
0xf8: {  	s31 =	sadd.s32 $0x4, s31;
	s12 =	sadd.s32 $0x3, s30;
	v13 =	vadd.s32 v2, v4;
	v10 =	vld [tilespmem:s16+$0xFFFFFFA0];
	[tilespmem:v22+s22+$0x0] =	vst.idx.msk $0xffff, v19  }
0xf9: {  	_ =	sdelay $0x2  }
0xfa: {  	v19 =	vmov s12  }
0xfb: {  	s13 =	sadd.s32 $0x1, s30;
	[tilespmem:v18+s22+$0x0] =	vst.idx.msk $0xffff, v17;
	v30 =	vld [tilespmem:s8+$0xFFFFFFB0];
	v6 =	vadd.s32 v3, v6;
	s8 =	sadd.s32 $0x100, s16;
	v21 =	vmov s30;
	v31 =	vand.u32 $0x7F, v19  }
0xfc: {  	v32 =	vmov s13;
	s13 =	sadd.s32 $0x2, s30;
	[tilespmem:v16+s22+$0x0] =	vst.idx.msk $0xffff, v15;
	v33 =	vld [tilespmem:s8+$0x40];
	v21 =	vand.u32 $0x7C, v21;
	v34 =	vadd.s32 v0, v31  }
0xfd: {  	v22 =	vld [tilespmem:s8+$0xFFFFFF80];
	v19 =	vand.u32 $0x7D, v32;
	v20 =	vmov s13;
	[tilespmem:v14+s22+$0x0] =	vst.idx.msk $0xffff, v11;
	v39 =	vadd.s32 v0, v21  }
0xfe: {  	v35 =	vld [tilespmem:s8+$0xFFFFFFC0];
	v36 =	vadd.s32 v0, v19;
	v20 =	vand.u32 $0x7E, v20;
	[tilespmem:v12+s22+$0x0] =	vst.idx.msk $0xffff, v9  }
0xff: {  	v37 =	vld [tilespmem:s8+$0x0];
	v38 =	vadd.s32 v0, v20;
	[tilespmem:v13+s22+$0x0] =	vst.idx.msk $0xffff, v10  }
0x100: {  	v41 =	vadd.s32 v2, v7;
	v40 =	vld [tilespmem:s16+$0xFFFFFFE0];
	[tilespmem:v6+s22+$0x0] =	vst.idx.msk $0xffff, v30  }
0x101: {  	v49 =	vadd.s32 v2, v5;
	v48 =	vld [tilespmem:s16+$0x20];
	[tilespmem:v34+s22+$0x0] =	vst.idx.msk $0xffff, v33  }
0x102: {  	v43 =	vadd.s32 v1, v31;
	[tilespmem:v39+s22+$0x0] =	vst.idx.msk $0xffff, v22;
	v15 =	vld [tilespmem:s8+$0x50]  }
0x103: {  	v47 =	vadd.s32 v1, v21;
	[tilespmem:v36+s22+$0x0] =	vst.idx.msk $0xffff, v35;
	v46 =	vld [tilespmem:s8+$0xFFFFFF90]  }
0x104: {  	v44 =	vadd.s32 v1, v19;
	v11 =	vld [tilespmem:s8+$0xFFFFFFD0];
	[tilespmem:v38+s22+$0x0] =	vst.idx.msk $0xffff, v37  }
0x105: {  	v45 =	vadd.s32 v1, v20;
	[tilespmem:v41+s22+$0x0] =	vst.idx.msk $0xffff, v40;
	v9 =	vld [tilespmem:s8+$0x10]  }
0x106: {  	v8 =	vadd.s32 v3, v8;
	v42 =	vld [tilespmem:s16+$0x70];
	[tilespmem:v49+s22+$0x0] =	vst.idx.msk $0xffff, v48  }
0x107: {  	v5 =	vadd.s32 v3, v5;
	v13 =	vld [tilespmem:s16+$0x30];
	[tilespmem:v43+s22+$0x0] =	vst.idx.msk $0xffff, v15  }
0x108: {  	v52 =	vadd.s32 v2, v31;
	[tilespmem:v47+s22+$0x0] =	vst.idx.msk $0xffff, v46;
	v15 =	vld [tilespmem:s8+$0x60]  }
0x109: {  	v57 =	vadd.s32 v2, v21;
	[tilespmem:v44+s22+$0x0] =	vst.idx.msk $0xffff, v11;
	v56 =	vld [tilespmem:s8+$0xFFFFFFA0]  }
0x10a: {  	v53 =	vadd.s32 v2, v19;
	v11 =	vld [tilespmem:s8+$0xFFFFFFE0];
	[tilespmem:v45+s22+$0x0] =	vst.idx.msk $0xffff, v9  }
0x10b: {  	v55 =	vadd.s32 v2, v20;
	[tilespmem:v8+s22+$0x0] =	vst.idx.msk $0xffff, v42;
	v54 =	vld [tilespmem:s8+$0x20]  }
0x10c: {  	v4 =	vadd.s32 v3, v4;
	v58 =	vld [tilespmem:s16+$0xFFFFFFB0];
	[tilespmem:v5+s22+$0x0] =	vst.idx.msk $0xffff, v13  }
0x10d: {  	v51 =	vadd.s32 v3, v7;
	v50 =	vld [tilespmem:s16+$0xFFFFFFF0];
	[tilespmem:v52+s22+$0x0] =	vst.idx.msk $0xffff, v15  }
0x10e: {  	v60 =	vadd.s32 v3, v31;
	[tilespmem:v57+s22+$0x0] =	vst.idx.msk $0xffff, v56;
	v59 =	vld [tilespmem:s8+$0x70]  }
0x10f: {  	v63 =	vadd.s32 v3, v21;
	[tilespmem:v53+s22+$0x0] =	vst.idx.msk $0xffff, v11;
	v5 =	vld [tilespmem:s8+$0xFFFFFFB0]  }
0x110: {  	v61 =	vadd.s32 v3, v19;
	v11 =	vld [tilespmem:s8+$0xFFFFFFF0];
	[tilespmem:v55+s22+$0x0] =	vst.idx.msk $0xffff, v54  }
0x111: {  	v62 =	vadd.s32 v3, v20;
	[tilespmem:v4+s22+$0x0] =	vst.idx.msk $0xffff, v58;
	v6 =	vld [tilespmem:s8+$0x30]  }
0x112: {  	[tilespmem:v51+s22+$0x0] =	vst.idx.msk $0xffff, v50  }
0x113: {  	[tilespmem:v60+s22+$0x0] =	vst.idx.msk $0xffff, v59  }
0x114: {  	[tilespmem:v63+s22+$0x0] =	vst.idx.msk $0xffff, v5  }
0x115: {  	[tilespmem:v61+s22+$0x0] =	vst.idx.msk $0xffff, v11  }
0x116: {  	s13 =	sadd.s32 s14, s5;
	s16 =	simm.s32 $0xD600;
	[tilespmem:v62+s22+$0x0] =	vst.idx.msk $0xffff, v6  }
0x117: {  	[hbm4b:s13+s2] =	stream.linear.scatter [tilespmem:s16], [sflag:$0x6], $0x80, $0x38;
	[tilespmem:$0x13C00] =	vst v63  }
0x118: {  	s12 =	simm.s32 $0xD688;
	s16 =	sadd.s32 $0x10, s13  }
0x119: {  	[hbm4b:s16+s2] =	stream.linear.scatter [tilespmem:s12], [sflag:$0x6], $0x80, $0x38;
	[tilespmem:$0x13C00] =	vst v63  }
0x11a: {  	s12 =	simm.s32 $0xD710;
	s16 =	sadd.s32 $0x20, s13  }
0x11b: {  	[hbm4b:s16+s2] =	stream.linear.scatter [tilespmem:s12], [sflag:$0x6], $0x80, $0x38;
	[tilespmem:$0x13C00] =	vst v63  }
0x11c: {  	s12 =	simm.s32 $0xD798;
	s16 =	sadd.s32 $0x30, s13  }
0x11d: {  	[hbm4b:s16+s2] =	stream.linear.scatter [tilespmem:s12], [sflag:$0x6], $0x80, $0x38;
	[tilespmem:$0x13C00] =	vst v63  }
0x11e: {  	s12 =	simm.s32 $0xD820;
	s16 =	sadd.s32 $0x40, s13  }
0x11f: {  	[hbm4b:s16+s2] =	stream.linear.scatter [tilespmem:s12], [sflag:$0x6], $0x80, $0x38;
	[tilespmem:$0x13C00] =	vst v63  }
0x120: {  	s30 =	simm.s32 $0x2200;
	s12 =	simm.s32 $0xD8A8;
	s16 =	sadd.s32 $0x50, s13  }
0x121: {  	[hbm4b:s16+s2] =	stream.linear.scatter [tilespmem:s12], [sflag:$0x6], $0x80, $0x38;
	[tilespmem:$0x13C00] =	vst v63  }
0x122: {  	s31 =	sadd.s32 $0x70, s13;
	s12 =	simm.s32 $0xD930;
	s16 =	sadd.s32 $0x60, s13  }
0x123: {  	[hbm4b:s16+s2] =	stream.linear.scatter [tilespmem:s12], [sflag:$0x6], $0x80, $0x38;
	[tilespmem:$0x13C00] =	vst v63  }
0x124: {  	s8 =	simm.s32 $0x440;
	s12 =	simm.s32 $0xD9B8;
	s16 =	sadd.s32 $0x4000, s13  }
.LBB2_15:
0x125: {  	[hbm4b:s31+s2] =	stream.linear.scatter [tilespmem:s12], [sflag:$0x6], $0x80, $0x38;
	[tilespmem:$0x13C00] =	vst v63  }
0x126: {  	s12 =	smov.u32 s8;
	s8 =	smov.u32 s30  }
0x127: {  	s13 =	sadd.s32 $0x1100, s30;
	s8 =	sshra.s32 s8, $0x2;
	s31 =	sadd.s32 $0xD600, s12  }
0x128: {  	[hbm4b:s16+s2] =	stream.linear.scatter [tilespmem:s31], [sflag:$0x6], $0x80, $0x38;
	[tilespmem:$0x13C00] =	vst v63  }
0x129: {  	p2 =	sne.s32 s30, $0x7700;
	s30 =	sadd.s32 $0xD688, s12;
	s31 =	sadd.s32 $0x10, s16  }
0x12a: {  	[hbm4b:s31+s2] =	stream.linear.scatter [tilespmem:s30], [sflag:$0x6], $0x80, $0x38;
	[tilespmem:$0x13C00] =	vst v63  }
0x12b: {  	s30 =	sadd.s32 $0xD710, s12;
	s31 =	sadd.s32 $0x20, s16  }
0x12c: {  	[hbm4b:s31+s2] =	stream.linear.scatter [tilespmem:s30], [sflag:$0x6], $0x80, $0x38;
	[tilespmem:$0x13C00] =	vst v63  }
0x12d: {  	s30 =	sadd.s32 $0xD798, s12;
	s31 =	sadd.s32 $0x30, s16  }
0x12e: {  	[hbm4b:s31+s2] =	stream.linear.scatter [tilespmem:s30], [sflag:$0x6], $0x80, $0x38;
	[tilespmem:$0x13C00] =	vst v63  }
0x12f: {  	s30 =	sadd.s32 $0xD820, s12;
	s31 =	sadd.s32 $0x40, s16  }
0x130: {  	[hbm4b:s31+s2] =	stream.linear.scatter [tilespmem:s30], [sflag:$0x6], $0x80, $0x38;
	[tilespmem:$0x13C00] =	vst v63  }
.Ltmp9:
0x131: {  	s30 =	sadd.s32 $0xD8A8, s12;
	s31 =	sadd.s32 $0x50, s16;
	(pc) =	sbr.rel @p2 .LBB2_15-.Ltmp9, $4  }
0x132: {  	[hbm4b:s31+s2] =	stream.linear.scatter [tilespmem:s30], [sflag:$0x6], $0x80, $0x38;
	[tilespmem:$0x13C00] =	vst v63  }
0x133: {  	s30 =	sadd.s32 $0xD930, s12;
	s31 =	sadd.s32 $0x60, s16;
	s12 =	sadd.s32 $0xD9B8, s12  }
0x134: {  	[hbm4b:s31+s2] =	stream.linear.scatter [tilespmem:s30], [sflag:$0x6], $0x80, $0x38;
	[tilespmem:$0x13C00] =	vst v63  }
0x135: {  	s31 =	sadd.s32 $0x70, s16;
	s16 =	sadd.s32 $0x4000, s16;
	s30 =	smov.u32 s13  }
0x136: {  	[hbm4b:s31+s2] =	stream.linear.scatter [tilespmem:s12], [sflag:$0x6], $0x80, $0x38;
	[tilespmem:$0x13C00] =	vst v63  }
0x137: {  	s30 =	sadd.s32 $0xD600, s8  }
0x138: {  	[hbm4b:s16+s2] =	stream.linear.scatter [tilespmem:s30], [sflag:$0x6], $0x80, $0x38;
	[tilespmem:$0x13C00] =	vst v63  }
0x139: {  	s31 =	sadd.s32 $0xD688, s8;
	s13 =	sadd.s32 $0x10, s16  }
0x13a: {  	[hbm4b:s13+s2] =	stream.linear.scatter [tilespmem:s31], [sflag:$0x6], $0x80, $0x38;
	[tilespmem:$0x13C00] =	vst v63  }
0x13b: {  	s30 =	sadd.s32 $0xD710, s8;
	s31 =	sadd.s32 $0x20, s16  }
0x13c: {  	[hbm4b:s31+s2] =	stream.linear.scatter [tilespmem:s30], [sflag:$0x6], $0x80, $0x38;
	[tilespmem:$0x13C00] =	vst v63  }
0x13d: {  	s30 =	sadd.s32 $0xD798, s8;
	s31 =	sadd.s32 $0x30, s16  }
0x13e: {  	[hbm4b:s31+s2] =	stream.linear.scatter [tilespmem:s30], [sflag:$0x6], $0x80, $0x38;
	[tilespmem:$0x13C00] =	vst v63  }
0x13f: {  	s30 =	sadd.s32 $0xD820, s8;
	s31 =	sadd.s32 $0x40, s16  }
0x140: {  	[hbm4b:s31+s2] =	stream.linear.scatter [tilespmem:s30], [sflag:$0x6], $0x80, $0x38;
	[tilespmem:$0x13C00] =	vst v63  }
0x141: {  	s30 =	sadd.s32 $0xD8A8, s8;
	s31 =	sadd.s32 $0x50, s16  }
0x142: {  	[hbm4b:s31+s2] =	stream.linear.scatter [tilespmem:s30], [sflag:$0x6], $0x80, $0x38;
	[tilespmem:$0x13C00] =	vst v63  }
.Ltmp10:
0x143: {  	_ = 	snop;
	(pc) =	sbr.rel @p1 .LBB2_18-.Ltmp10, $4  }
0x144: {  	s30 =	sadd.s32 $0xD930, s8;
	s31 =	sadd.s32 $0x60, s16  }
0x145: {  	[hbm4b:s31+s2] =	stream.linear.scatter [tilespmem:s30], [sflag:$0x6], $0x80, $0x38;
	[tilespmem:$0x13C00] =	vst v63  }
0x146: {  	s30 =	sadd.s32 $0xD9B8, s8;
	s31 =	sadd.s32 $0x70, s16  }
0x147: {  	[hbm4b:s31+s2] =	stream.linear.scatter [tilespmem:s30], [sflag:$0x6], $0x80, $0x38;
	[tilespmem:$0x13C00] =	vst v63  }
.Ltmp11:
0x148: {  	(pc) =	sbr.rel .LBB2_19-.Ltmp11, $4  }
0x149: {  	_ = 	snop  }
0x14a: {  	_ =	swait.ge [sflag:s23], $0x2000  }
0x14b: {  	[sflag:s23] =	ssyncset.done $0x0  }
0x14c: {  	[sflag:s23] =	ssyncadd.s32 $0xFFFFE000  }
.LBB2_18:
0x14d: {  	s8 =	sshll.u32 s1, $0x9  }
0x14e: {  	s8 =	sand.u32 $0x3FFFFE00, s8  }
.Ltmp12:
0x14f: {  	s12 =	simm.s32 $0x5400;
	s8 =	sadd.s32 $0x280, s8;
	(pc) =	sbr.rel @p0 .LBB2_20-.Ltmp12, $4  }
0x150: {  	[tilespmem:s12], [sflag:$0x2] =	stream.indirect.gather [hbm4b:s3+s11], $0x40, s8, s11, $0xb8;
	[tilespmem:$0x13C00] =	vst v63  }
0x151: {  	_ =	swait.ge [sflag:s23], $0x2000  }
0x152: {  	[sflag:s23] =	ssyncset.done $0x0  }
0x153: {  	[sflag:s23] =	ssyncadd.s32 $0xFFFFE000  }
.LBB2_19:
0x154: {  	_ =	swait.ge [sflag:s24], $0x2000  }
0x155: {  	[sflag:s24] =	ssyncset.done $0x0  }
0x156: {  	[sflag:s24] =	ssyncadd.s32 $0xFFFFE000  }
.LBB2_20:
0x157: {  	s8 =	simm.s32 $0x3  }
0x158: {  	s12 =	simm.s32 $0x0;
	v4 =	vmov s8  }
0x159: {  	s8 =	simm.s32 $0x7480;
	v5 =	vand.u32 $0x7F, v4;
	v4 =	vmov s12  }
0x15a: {  	s16 =	simm.s32 $0x1;
	v7 =	vld [tilespmem:s8+$0x40];
	v8 =	vadd.s32 v0, v5;
	v6 =	vand.u32 $0x7C, v4  }
0x15b: {  	v9 =	vld [tilespmem:s8+$0xFFFFFF80];
	v4 =	vmov s16;
	v10 =	vadd.s32 v0, v6  }
0x15c: {  	s13 =	simm.s32 $0x2;
	v11 =	vand.u32 $0x7D, v4  }
0x15d: {  	v13 =	vmov s13;
	v4 =	vld [tilespmem:s8+$0xFFFFFFC0];
	v12 =	vadd.s32 v0, v11  }
0x15e: {  	v13 =	vand.u32 $0x7E, v13  }
0x15f: {  	v14 =	vld [tilespmem:s8+$0x0];
	v15 =	vadd.s32 v0, v13;
	[tilespmem:v8+s25+$0x0] =	vst.idx.msk $0xffff, v7  }
0x160: {  	v8 =	vadd.s32 v1, v5;
	v7 =	vld [tilespmem:s8+$0x50];
	[tilespmem:v10+s25+$0x0] =	vst.idx.msk $0xffff, v9  }
0x161: {  	v10 =	vadd.s32 v1, v6;
	v9 =	vld [tilespmem:s8+$0xFFFFFF90]  }
0x162: {  	[tilespmem:v12+s25+$0x0] =	vst.idx.msk $0xffff, v4  }
0x163: {  	v12 =	vadd.s32 v1, v11;
	v4 =	vld [tilespmem:s8+$0xFFFFFFD0]  }
0x164: {  	[tilespmem:v15+s25+$0x0] =	vst.idx.msk $0xffff, v14  }
0x165: {  	v16 =	vadd.s32 v1, v13;
	s16 =	simm.s32 $0x7;
	v15 =	vld [tilespmem:s8+$0x10];
	[tilespmem:v8+s25+$0x0] =	vst.idx.msk $0xffff, v7  }
0x166: {  	v14 =	vadd.s32 v2, v5;
	v8 =	vmov s16;
	v7 =	vld [tilespmem:s8+$0x60];
	[tilespmem:v10+s25+$0x0] =	vst.idx.msk $0xffff, v9  }
0x167: {  	s16 =	simm.s32 $0x7580;
	v10 =	vadd.s32 v2, v6;
	v8 =	vand.u32 $0x7F, v8;
	v9 =	vld [tilespmem:s8+$0xFFFFFFA0]  }
0x168: {  	s13 =	simm.s32 $0x4;
	v18 =	vld [tilespmem:s16+$0x40];
	[tilespmem:v12+s25+$0x0] =	vst.idx.msk $0xffff, v4;
	v19 =	vadd.s32 v0, v8  }
0x169: {  	v17 =	vadd.s32 v2, v11;
	v4 =	vmov s13;
	s13 =	simm.s32 $0x5;
	v12 =	vld [tilespmem:s8+$0xFFFFFFE0]  }
0x16a: {  	[tilespmem:v16+s25+$0x0] =	vst.idx.msk $0xffff, v15;
	v4 =	vand.u32 $0x7C, v4;
	v22 =	vmov s13;
	s13 =	simm.s32 $0x6  }
0x16b: {  	v20 =	vld [tilespmem:s16+$0xFFFFFF80];
	v21 =	vadd.s32 v0, v4;
	[tilespmem:v14+s25+$0x0] =	vst.idx.msk $0xffff, v7;
	v7 =	vand.u32 $0x7D, v22;
	v14 =	vmov s13  }
0x16c: {  	v16 =	vadd.s32 v3, v5;
	[tilespmem:v10+s25+$0x0] =	vst.idx.msk $0xffff, v9;
	v9 =	vld [tilespmem:s16+$0xFFFFFFC0];
	v10 =	vadd.s32 v0, v7;
	v5 =	vand.u32 $0x7E, v14  }
0x16d: {  	v14 =	vld [tilespmem:s16+$0x0];
	[tilespmem:v19+s25+$0x0] =	vst.idx.msk $0xffff, v18;
	v63 =	vadd.s32 v0, v5  }
0x16e: {  	v18 =	vadd.s32 v2, v13;
	[tilespmem:v17+s25+$0x0] =	vst.idx.msk $0xffff, v12;
	v12 =	vld [tilespmem:s8+$0x20]  }
0x16f: {  	v15 =	vld [tilespmem:s8+$0x70]  }
0x170: {  	v19 =	vld [tilespmem:s16+$0x50];
	[tilespmem:v21+s25+$0x0] =	vst.idx.msk $0xffff, v20;
	v20 =	vadd.s32 v1, v8  }
0x171: {  	v23 =	vadd.s32 v1, v4;
	v21 =	vld [tilespmem:s16+$0xFFFFFF90];
	[tilespmem:v10+s25+$0x0] =	vst.idx.msk $0xffff, v9  }
0x172: {  	v25 =	vadd.s32 v3, v11;
	v24 =	vld [tilespmem:s8+$0xFFFFFFF0];
	[tilespmem:v63+s25+$0x0] =	vst.idx.msk $0xffff, v14  }
0x173: {  	v17 =	vld [tilespmem:s16+$0xFFFFFFD0];
	[tilespmem:v18+s25+$0x0] =	vst.idx.msk $0xffff, v12;
	v18 =	vadd.s32 v1, v7  }
0x174: {  	[tilespmem:v16+s25+$0x0] =	vst.idx.msk $0xffff, v15;
	v16 =	vadd.s32 v1, v5;
	v15 =	vld [tilespmem:s16+$0x10]  }
0x175: {  	v14 =	vadd.s32 v3, v13;
	[tilespmem:v20+s25+$0x0] =	vst.idx.msk $0xffff, v19;
	v11 =	vld [tilespmem:s8+$0x30]  }
0x176: {  	v12 =	vadd.s32 v2, v8;
	[tilespmem:v23+s25+$0x0] =	vst.idx.msk $0xffff, v21;
	v9 =	vld [tilespmem:s16+$0x60]  }
0x177: {  	s30 =	simm.s32 $0x8;
	s31 =	simm.s32 $0xC;
	s12 =	simm.s32 $0xB;
	v13 =	vadd.s32 v2, v4;
	[tilespmem:v25+s25+$0x0] =	vst.idx.msk $0xffff, v24;
	v10 =	vld [tilespmem:s16+$0xFFFFFFA0]  }
.LBB2_21:
0x178: {  	p2 =	slt.u32 s31, $0x7C;
	v19 =	vmov s12;
	[tilespmem:v18+s25+$0x0] =	vst.idx.msk $0xffff, v17;
	v17 =	vld [tilespmem:s8+$0xFFFFFFB0];
	v18 =	vadd.s32 v3, v6;
	v6 =	vmov v4;
	s8 =	smov.u32 s16  }
0x179: {  	v4 =	vmov s30;
	v21 =	vadd.s32 v2, v7;
	s16 =	sadd.s32 $0x100, s16;
	v19 =	vand.u32 $0x7F, v19;
	v20 =	vld [tilespmem:s8+$0xFFFFFFE0];
	[tilespmem:v16+s25+$0x0] =	vst.idx.msk $0xffff, v15  }
0x17a: {  	s12 =	sadd.s32 $0x1, s30;
	v4 =	vand.u32 $0x7C, v4;
	v15 =	vld [tilespmem:s16+$0x40];
	v16 =	vadd.s32 v0, v19;
	[tilespmem:v14+s25+$0x0] =	vst.idx.msk $0xffff, v11  }
0x17b: {  	v22 =	vmov s12;
	s12 =	sadd.s32 $0x2, s30;
	s30 =	smov.u32 s31;
	v14 =	vadd.s32 v0, v4;
	v11 =	vld [tilespmem:s16+$0xFFFFFF80];
	[tilespmem:v12+s25+$0x0] =	vst.idx.msk $0xffff, v9  }
0x17c: {  	v9 =	vand.u32 $0x7D, v22;
	v12 =	vmov s12;
	[tilespmem:v13+s25+$0x0] =	vst.idx.msk $0xffff, v10;
	v10 =	vld [tilespmem:s8+$0x70];
	v13 =	vadd.s32 v3, v8;
	v8 =	vmovc v19  }
0x17d: {  	v22 =	vadd.s32 v0, v9;
	v12 =	vand.u32 $0x7E, v12;
	v19 =	vld [tilespmem:s16+$0xFFFFFFC0];
	[tilespmem:v18+s25+$0x0] =	vst.idx.msk $0xffff, v17  }
0x17e: {  	v24 =	vadd.s32 v0, v12;
	v23 =	vld [tilespmem:s16+$0x0];
	[tilespmem:v21+s25+$0x0] =	vst.idx.msk $0xffff, v20  }
0x17f: {  	v21 =	vadd.s32 v2, v5;
	[tilespmem:v16+s25+$0x0] =	vst.idx.msk $0xffff, v15;
	v20 =	vld [tilespmem:s8+$0x20]  }
0x180: {  	[tilespmem:v14+s25+$0x0] =	vst.idx.msk $0xffff, v11;
	v11 =	vld [tilespmem:s16+$0x50];
	v14 =	vadd.s32 v1, v8  }
0x181: {  	v26 =	vadd.s32 v1, v4;
	v25 =	vld [tilespmem:s16+$0xFFFFFF90];
	[tilespmem:v13+s25+$0x0] =	vst.idx.msk $0xffff, v10  }
0x182: {  	[tilespmem:v22+s25+$0x0] =	vst.idx.msk $0xffff, v19;
	v19 =	vld [tilespmem:s8+$0xFFFFFFF0];
	v22 =	vadd.s32 v3, v7;
	v7 =	vmov v9  }
.Ltmp13:
0x183: {  	v17 =	vld [tilespmem:s16+$0xFFFFFFD0];
	v18 =	vadd.s32 v1, v7;
	[tilespmem:v24+s25+$0x0] =	vst.idx.msk $0xffff, v23;
	(pc) =	sbr.rel @p2 .LBB2_21-.Ltmp13, $4  }
0x184: {  	v16 =	vadd.s32 v1, v12;
	v15 =	vld [tilespmem:s16+$0x10];
	[tilespmem:v21+s25+$0x0] =	vst.idx.msk $0xffff, v20  }
0x185: {  	[tilespmem:v14+s25+$0x0] =	vst.idx.msk $0xffff, v11;
	v11 =	vld [tilespmem:s8+$0x30];
	v14 =	vadd.s32 v3, v5;
	v5 =	vmov v12  }
0x186: {  	v12 =	vadd.s32 v2, v8;
	[tilespmem:v26+s25+$0x0] =	vst.idx.msk $0xffff, v25;
	v9 =	vld [tilespmem:s16+$0x60]  }
0x187: {  	s31 =	sadd.s32 $0x4, s31;
	s12 =	sadd.s32 $0x3, s30;
	v13 =	vadd.s32 v2, v4;
	v10 =	vld [tilespmem:s16+$0xFFFFFFA0];
	[tilespmem:v22+s25+$0x0] =	vst.idx.msk $0xffff, v19  }
0x188: {  	_ =	sdelay $0x2  }
0x189: {  	v19 =	vmov s12  }
0x18a: {  	s13 =	sadd.s32 $0x1, s30;
	[tilespmem:v18+s25+$0x0] =	vst.idx.msk $0xffff, v17;
	v30 =	vld [tilespmem:s8+$0xFFFFFFB0];
	v6 =	vadd.s32 v3, v6;
	s8 =	sadd.s32 $0x100, s16;
	v21 =	vmov s30;
	v31 =	vand.u32 $0x7F, v19  }
0x18b: {  	v32 =	vmov s13;
	s13 =	sadd.s32 $0x2, s30;
	[tilespmem:v16+s25+$0x0] =	vst.idx.msk $0xffff, v15;
	v33 =	vld [tilespmem:s8+$0x40];
	v21 =	vand.u32 $0x7C, v21;
	v34 =	vadd.s32 v0, v31  }
0x18c: {  	v22 =	vld [tilespmem:s8+$0xFFFFFF80];
	v19 =	vand.u32 $0x7D, v32;
	v20 =	vmov s13;
	[tilespmem:v14+s25+$0x0] =	vst.idx.msk $0xffff, v11;
	v39 =	vadd.s32 v0, v21  }
0x18d: {  	v35 =	vld [tilespmem:s8+$0xFFFFFFC0];
	v36 =	vadd.s32 v0, v19;
	v20 =	vand.u32 $0x7E, v20;
	[tilespmem:v12+s25+$0x0] =	vst.idx.msk $0xffff, v9  }
0x18e: {  	v37 =	vld [tilespmem:s8+$0x0];
	v38 =	vadd.s32 v0, v20;
	[tilespmem:v13+s25+$0x0] =	vst.idx.msk $0xffff, v10  }
0x18f: {  	v41 =	vadd.s32 v2, v7;
	v40 =	vld [tilespmem:s16+$0xFFFFFFE0];
	[tilespmem:v6+s25+$0x0] =	vst.idx.msk $0xffff, v30  }
0x190: {  	v49 =	vadd.s32 v2, v5;
	v48 =	vld [tilespmem:s16+$0x20];
	[tilespmem:v34+s25+$0x0] =	vst.idx.msk $0xffff, v33  }
0x191: {  	v43 =	vadd.s32 v1, v31;
	[tilespmem:v39+s25+$0x0] =	vst.idx.msk $0xffff, v22;
	v15 =	vld [tilespmem:s8+$0x50]  }
0x192: {  	v47 =	vadd.s32 v1, v21;
	[tilespmem:v36+s25+$0x0] =	vst.idx.msk $0xffff, v35;
	v46 =	vld [tilespmem:s8+$0xFFFFFF90]  }
0x193: {  	v44 =	vadd.s32 v1, v19;
	v11 =	vld [tilespmem:s8+$0xFFFFFFD0];
	[tilespmem:v38+s25+$0x0] =	vst.idx.msk $0xffff, v37  }
0x194: {  	v45 =	vadd.s32 v1, v20;
	[tilespmem:v41+s25+$0x0] =	vst.idx.msk $0xffff, v40;
	v9 =	vld [tilespmem:s8+$0x10]  }
0x195: {  	v8 =	vadd.s32 v3, v8;
	v42 =	vld [tilespmem:s16+$0x70];
	[tilespmem:v49+s25+$0x0] =	vst.idx.msk $0xffff, v48  }
0x196: {  	v5 =	vadd.s32 v3, v5;
	v13 =	vld [tilespmem:s16+$0x30];
	[tilespmem:v43+s25+$0x0] =	vst.idx.msk $0xffff, v15  }
0x197: {  	v52 =	vadd.s32 v2, v31;
	[tilespmem:v47+s25+$0x0] =	vst.idx.msk $0xffff, v46;
	v15 =	vld [tilespmem:s8+$0x60]  }
0x198: {  	v57 =	vadd.s32 v2, v21;
	[tilespmem:v44+s25+$0x0] =	vst.idx.msk $0xffff, v11;
	v56 =	vld [tilespmem:s8+$0xFFFFFFA0]  }
0x199: {  	v53 =	vadd.s32 v2, v19;
	v11 =	vld [tilespmem:s8+$0xFFFFFFE0];
	[tilespmem:v45+s25+$0x0] =	vst.idx.msk $0xffff, v9  }
0x19a: {  	v55 =	vadd.s32 v2, v20;
	[tilespmem:v8+s25+$0x0] =	vst.idx.msk $0xffff, v42;
	v54 =	vld [tilespmem:s8+$0x20]  }
0x19b: {  	v4 =	vadd.s32 v3, v4;
	v58 =	vld [tilespmem:s16+$0xFFFFFFB0];
	[tilespmem:v5+s25+$0x0] =	vst.idx.msk $0xffff, v13  }
0x19c: {  	v51 =	vadd.s32 v3, v7;
	v50 =	vld [tilespmem:s16+$0xFFFFFFF0];
	[tilespmem:v52+s25+$0x0] =	vst.idx.msk $0xffff, v15  }
0x19d: {  	v60 =	vadd.s32 v3, v31;
	[tilespmem:v57+s25+$0x0] =	vst.idx.msk $0xffff, v56;
	v59 =	vld [tilespmem:s8+$0x70]  }
0x19e: {  	v63 =	vadd.s32 v3, v21;
	[tilespmem:v53+s25+$0x0] =	vst.idx.msk $0xffff, v11;
	v5 =	vld [tilespmem:s8+$0xFFFFFFB0]  }
0x19f: {  	v61 =	vadd.s32 v3, v19;
	v11 =	vld [tilespmem:s8+$0xFFFFFFF0];
	[tilespmem:v55+s25+$0x0] =	vst.idx.msk $0xffff, v54  }
0x1a0: {  	v62 =	vadd.s32 v3, v20;
	[tilespmem:v4+s25+$0x0] =	vst.idx.msk $0xffff, v58;
	v6 =	vld [tilespmem:s8+$0x30]  }
0x1a1: {  	[tilespmem:v51+s25+$0x0] =	vst.idx.msk $0xffff, v50  }
0x1a2: {  	[tilespmem:v60+s25+$0x0] =	vst.idx.msk $0xffff, v59  }
0x1a3: {  	[tilespmem:v63+s25+$0x0] =	vst.idx.msk $0xffff, v5  }
0x1a4: {  	[tilespmem:v61+s25+$0x0] =	vst.idx.msk $0xffff, v11  }
0x1a5: {  	s13 =	sadd.s32 s14, s6;
	s16 =	simm.s32 $0xF800;
	[tilespmem:v62+s25+$0x0] =	vst.idx.msk $0xffff, v6  }
0x1a6: {  	[hbm4b:s13+s2] =	stream.linear.scatter [tilespmem:s16], [sflag:$0x7], $0x80, $0x38;
	[tilespmem:$0x13C00] =	vst v63  }
0x1a7: {  	s12 =	simm.s32 $0xF888;
	s16 =	sadd.s32 $0x10, s13  }
0x1a8: {  	[hbm4b:s16+s2] =	stream.linear.scatter [tilespmem:s12], [sflag:$0x7], $0x80, $0x38;
	[tilespmem:$0x13C00] =	vst v63  }
0x1a9: {  	s12 =	simm.s32 $0xF910;
	s16 =	sadd.s32 $0x20, s13  }
0x1aa: {  	[hbm4b:s16+s2] =	stream.linear.scatter [tilespmem:s12], [sflag:$0x7], $0x80, $0x38;
	[tilespmem:$0x13C00] =	vst v63  }
0x1ab: {  	s12 =	simm.s32 $0xF998;
	s16 =	sadd.s32 $0x30, s13  }
0x1ac: {  	[hbm4b:s16+s2] =	stream.linear.scatter [tilespmem:s12], [sflag:$0x7], $0x80, $0x38;
	[tilespmem:$0x13C00] =	vst v63  }
0x1ad: {  	s12 =	simm.s32 $0xFA20;
	s16 =	sadd.s32 $0x40, s13  }
0x1ae: {  	[hbm4b:s16+s2] =	stream.linear.scatter [tilespmem:s12], [sflag:$0x7], $0x80, $0x38;
	[tilespmem:$0x13C00] =	vst v63  }
0x1af: {  	s30 =	simm.s32 $0x2200;
	s12 =	simm.s32 $0xFAA8;
	s16 =	sadd.s32 $0x50, s13  }
0x1b0: {  	[hbm4b:s16+s2] =	stream.linear.scatter [tilespmem:s12], [sflag:$0x7], $0x80, $0x38;
	[tilespmem:$0x13C00] =	vst v63  }
0x1b1: {  	s31 =	sadd.s32 $0x70, s13;
	s12 =	simm.s32 $0xFB30;
	s16 =	sadd.s32 $0x60, s13  }
0x1b2: {  	[hbm4b:s16+s2] =	stream.linear.scatter [tilespmem:s12], [sflag:$0x7], $0x80, $0x38;
	[tilespmem:$0x13C00] =	vst v63  }
0x1b3: {  	s8 =	simm.s32 $0x440;
	s12 =	simm.s32 $0xFBB8;
	s16 =	sadd.s32 $0x4000, s13  }
.LBB2_23:
0x1b4: {  	[hbm4b:s31+s2] =	stream.linear.scatter [tilespmem:s12], [sflag:$0x7], $0x80, $0x38;
	[tilespmem:$0x13C00] =	vst v63  }
0x1b5: {  	s12 =	smov.u32 s8;
	s8 =	smov.u32 s30  }
0x1b6: {  	s13 =	sadd.s32 $0x1100, s30;
	s8 =	sshra.s32 s8, $0x2;
	s31 =	sadd.s32 $0xF800, s12  }
0x1b7: {  	[hbm4b:s16+s2] =	stream.linear.scatter [tilespmem:s31], [sflag:$0x7], $0x80, $0x38;
	[tilespmem:$0x13C00] =	vst v63  }
0x1b8: {  	p2 =	sne.s32 s30, $0x7700;
	s30 =	sadd.s32 $0xF888, s12;
	s31 =	sadd.s32 $0x10, s16  }
0x1b9: {  	[hbm4b:s31+s2] =	stream.linear.scatter [tilespmem:s30], [sflag:$0x7], $0x80, $0x38;
	[tilespmem:$0x13C00] =	vst v63  }
0x1ba: {  	s30 =	sadd.s32 $0xF910, s12;
	s31 =	sadd.s32 $0x20, s16  }
0x1bb: {  	[hbm4b:s31+s2] =	stream.linear.scatter [tilespmem:s30], [sflag:$0x7], $0x80, $0x38;
	[tilespmem:$0x13C00] =	vst v63  }
0x1bc: {  	s30 =	sadd.s32 $0xF998, s12;
	s31 =	sadd.s32 $0x30, s16  }
0x1bd: {  	[hbm4b:s31+s2] =	stream.linear.scatter [tilespmem:s30], [sflag:$0x7], $0x80, $0x38;
	[tilespmem:$0x13C00] =	vst v63  }
0x1be: {  	s30 =	sadd.s32 $0xFA20, s12;
	s31 =	sadd.s32 $0x40, s16  }
0x1bf: {  	[hbm4b:s31+s2] =	stream.linear.scatter [tilespmem:s30], [sflag:$0x7], $0x80, $0x38;
	[tilespmem:$0x13C00] =	vst v63  }
.Ltmp14:
0x1c0: {  	s30 =	sadd.s32 $0xFAA8, s12;
	s31 =	sadd.s32 $0x50, s16;
	(pc) =	sbr.rel @p2 .LBB2_23-.Ltmp14, $4  }
0x1c1: {  	[hbm4b:s31+s2] =	stream.linear.scatter [tilespmem:s30], [sflag:$0x7], $0x80, $0x38;
	[tilespmem:$0x13C00] =	vst v63  }
0x1c2: {  	s30 =	sadd.s32 $0xFB30, s12;
	s31 =	sadd.s32 $0x60, s16;
	s12 =	sadd.s32 $0xFBB8, s12  }
0x1c3: {  	[hbm4b:s31+s2] =	stream.linear.scatter [tilespmem:s30], [sflag:$0x7], $0x80, $0x38;
	[tilespmem:$0x13C00] =	vst v63  }
0x1c4: {  	s31 =	sadd.s32 $0x70, s16;
	s16 =	sadd.s32 $0x4000, s16;
	s30 =	smov.u32 s13  }
0x1c5: {  	[hbm4b:s31+s2] =	stream.linear.scatter [tilespmem:s12], [sflag:$0x7], $0x80, $0x38;
	[tilespmem:$0x13C00] =	vst v63  }
0x1c6: {  	s30 =	sadd.s32 $0xF800, s8  }
0x1c7: {  	[hbm4b:s16+s2] =	stream.linear.scatter [tilespmem:s30], [sflag:$0x7], $0x80, $0x38;
	[tilespmem:$0x13C00] =	vst v63  }
0x1c8: {  	s31 =	sadd.s32 $0xF888, s8;
	s13 =	sadd.s32 $0x10, s16  }
0x1c9: {  	[hbm4b:s13+s2] =	stream.linear.scatter [tilespmem:s31], [sflag:$0x7], $0x80, $0x38;
	[tilespmem:$0x13C00] =	vst v63  }
0x1ca: {  	s30 =	sadd.s32 $0xF910, s8;
	s31 =	sadd.s32 $0x20, s16  }
0x1cb: {  	[hbm4b:s31+s2] =	stream.linear.scatter [tilespmem:s30], [sflag:$0x7], $0x80, $0x38;
	[tilespmem:$0x13C00] =	vst v63  }
0x1cc: {  	s30 =	sadd.s32 $0xF998, s8;
	s31 =	sadd.s32 $0x30, s16  }
0x1cd: {  	[hbm4b:s31+s2] =	stream.linear.scatter [tilespmem:s30], [sflag:$0x7], $0x80, $0x38;
	[tilespmem:$0x13C00] =	vst v63  }
0x1ce: {  	s30 =	sadd.s32 $0xFA20, s8;
	s31 =	sadd.s32 $0x40, s16  }
0x1cf: {  	[hbm4b:s31+s2] =	stream.linear.scatter [tilespmem:s30], [sflag:$0x7], $0x80, $0x38;
	[tilespmem:$0x13C00] =	vst v63  }
0x1d0: {  	s30 =	sadd.s32 $0xFAA8, s8;
	s31 =	sadd.s32 $0x50, s16  }
0x1d1: {  	[hbm4b:s31+s2] =	stream.linear.scatter [tilespmem:s30], [sflag:$0x7], $0x80, $0x38;
	[tilespmem:$0x13C00] =	vst v63  }
.Ltmp15:
0x1d2: {  	_ = 	snop;
	(pc) =	sbr.rel @p1 .LBB2_26-.Ltmp15, $4  }
0x1d3: {  	s30 =	sadd.s32 $0xFB30, s8;
	s31 =	sadd.s32 $0x60, s16  }
0x1d4: {  	[hbm4b:s31+s2] =	stream.linear.scatter [tilespmem:s30], [sflag:$0x7], $0x80, $0x38;
	[tilespmem:$0x13C00] =	vst v63  }
0x1d5: {  	s30 =	sadd.s32 $0xFBB8, s8;
	s31 =	sadd.s32 $0x70, s16  }
0x1d6: {  	[hbm4b:s31+s2] =	stream.linear.scatter [tilespmem:s30], [sflag:$0x7], $0x80, $0x38;
	[tilespmem:$0x13C00] =	vst v63  }
.Ltmp16:
0x1d7: {  	(pc) =	sbr.rel .LBB2_27-.Ltmp16, $4  }
0x1d8: {  	_ = 	snop  }
0x1d9: {  	_ =	swait.ge [sflag:s26], $0x2000  }
0x1da: {  	[sflag:s26] =	ssyncset.done $0x0  }
0x1db: {  	[sflag:s26] =	ssyncadd.s32 $0xFFFFE000  }
.LBB2_26:
0x1dc: {  	s8 =	sshll.u32 s1, $0x9  }
0x1dd: {  	s8 =	sand.u32 $0x3FFFFE00, s8  }
.Ltmp17:
0x1de: {  	s8 =	sadd.s32 $0x300, s8;
	(pc) =	sbr.rel @p0 .LBB2_28-.Ltmp17, $4  }
0x1df: {  	[tilespmem:s15], [sflag:$0x3] =	stream.indirect.gather [hbm4b:s3+s11], $0x40, s8, s11, $0xb8;
	[tilespmem:$0x13C00] =	vst v63  }
0x1e0: {  	_ =	swait.ge [sflag:s26], $0x2000  }
0x1e1: {  	[sflag:s26] =	ssyncset.done $0x0  }
0x1e2: {  	[sflag:s26] =	ssyncadd.s32 $0xFFFFE000  }
.LBB2_27:
0x1e3: {  	_ =	swait.ge [sflag:s28], $0x2000  }
0x1e4: {  	[sflag:s28] =	ssyncset.done $0x0  }
0x1e5: {  	[sflag:s28] =	ssyncadd.s32 $0xFFFFE000  }
.LBB2_28:
0x1e6: {  	s8 =	simm.s32 $0x3  }
0x1e7: {  	s12 =	simm.s32 $0x0;
	v4 =	vmov s8  }
0x1e8: {  	s8 =	simm.s32 $0x9480;
	v5 =	vand.u32 $0x7F, v4;
	v4 =	vmov s12  }
0x1e9: {  	s16 =	simm.s32 $0x1;
	v7 =	vld [tilespmem:s8+$0x40];
	v8 =	vadd.s32 v0, v5;
	v6 =	vand.u32 $0x7C, v4  }
0x1ea: {  	v9 =	vld [tilespmem:s8+$0xFFFFFF80];
	v4 =	vmov s16;
	v10 =	vadd.s32 v0, v6  }
0x1eb: {  	s13 =	simm.s32 $0x2;
	v11 =	vand.u32 $0x7D, v4  }
0x1ec: {  	v13 =	vmov s13;
	v4 =	vld [tilespmem:s8+$0xFFFFFFC0];
	v12 =	vadd.s32 v0, v11  }
0x1ed: {  	v13 =	vand.u32 $0x7E, v13  }
0x1ee: {  	v14 =	vld [tilespmem:s8+$0x0];
	v15 =	vadd.s32 v0, v13;
	[tilespmem:v8+s29+$0x0] =	vst.idx.msk $0xffff, v7  }
0x1ef: {  	v8 =	vadd.s32 v1, v5;
	v7 =	vld [tilespmem:s8+$0x50];
	[tilespmem:v10+s29+$0x0] =	vst.idx.msk $0xffff, v9  }
0x1f0: {  	v10 =	vadd.s32 v1, v6;
	v9 =	vld [tilespmem:s8+$0xFFFFFF90]  }
0x1f1: {  	[tilespmem:v12+s29+$0x0] =	vst.idx.msk $0xffff, v4  }
0x1f2: {  	v12 =	vadd.s32 v1, v11;
	v4 =	vld [tilespmem:s8+$0xFFFFFFD0]  }
0x1f3: {  	[tilespmem:v15+s29+$0x0] =	vst.idx.msk $0xffff, v14  }
0x1f4: {  	v16 =	vadd.s32 v1, v13;
	s16 =	simm.s32 $0x7;
	v15 =	vld [tilespmem:s8+$0x10];
	[tilespmem:v8+s29+$0x0] =	vst.idx.msk $0xffff, v7  }
0x1f5: {  	v14 =	vadd.s32 v2, v5;
	v8 =	vmov s16;
	v7 =	vld [tilespmem:s8+$0x60];
	[tilespmem:v10+s29+$0x0] =	vst.idx.msk $0xffff, v9  }
0x1f6: {  	s16 =	simm.s32 $0x9580;
	v10 =	vadd.s32 v2, v6;
	v8 =	vand.u32 $0x7F, v8;
	v9 =	vld [tilespmem:s8+$0xFFFFFFA0]  }
0x1f7: {  	s13 =	simm.s32 $0x4;
	v18 =	vld [tilespmem:s16+$0x40];
	[tilespmem:v12+s29+$0x0] =	vst.idx.msk $0xffff, v4;
	v19 =	vadd.s32 v0, v8  }
0x1f8: {  	v17 =	vadd.s32 v2, v11;
	v4 =	vmov s13;
	s13 =	simm.s32 $0x5;
	v12 =	vld [tilespmem:s8+$0xFFFFFFE0]  }
0x1f9: {  	[tilespmem:v16+s29+$0x0] =	vst.idx.msk $0xffff, v15;
	v4 =	vand.u32 $0x7C, v4;
	v22 =	vmov s13;
	s13 =	simm.s32 $0x6  }
0x1fa: {  	v20 =	vld [tilespmem:s16+$0xFFFFFF80];
	v21 =	vadd.s32 v0, v4;
	[tilespmem:v14+s29+$0x0] =	vst.idx.msk $0xffff, v7;
	v7 =	vand.u32 $0x7D, v22;
	v14 =	vmov s13  }
0x1fb: {  	v16 =	vadd.s32 v3, v5;
	[tilespmem:v10+s29+$0x0] =	vst.idx.msk $0xffff, v9;
	v9 =	vld [tilespmem:s16+$0xFFFFFFC0];
	v10 =	vadd.s32 v0, v7;
	v5 =	vand.u32 $0x7E, v14  }
0x1fc: {  	v14 =	vld [tilespmem:s16+$0x0];
	[tilespmem:v19+s29+$0x0] =	vst.idx.msk $0xffff, v18;
	v63 =	vadd.s32 v0, v5  }
0x1fd: {  	v18 =	vadd.s32 v2, v13;
	[tilespmem:v17+s29+$0x0] =	vst.idx.msk $0xffff, v12;
	v12 =	vld [tilespmem:s8+$0x20]  }
0x1fe: {  	v15 =	vld [tilespmem:s8+$0x70]  }
0x1ff: {  	v19 =	vld [tilespmem:s16+$0x50];
	[tilespmem:v21+s29+$0x0] =	vst.idx.msk $0xffff, v20;
	v20 =	vadd.s32 v1, v8  }
0x200: {  	v23 =	vadd.s32 v1, v4;
	v21 =	vld [tilespmem:s16+$0xFFFFFF90];
	[tilespmem:v10+s29+$0x0] =	vst.idx.msk $0xffff, v9  }
0x201: {  	v25 =	vadd.s32 v3, v11;
	v24 =	vld [tilespmem:s8+$0xFFFFFFF0];
	[tilespmem:v63+s29+$0x0] =	vst.idx.msk $0xffff, v14  }
0x202: {  	v17 =	vld [tilespmem:s16+$0xFFFFFFD0];
	[tilespmem:v18+s29+$0x0] =	vst.idx.msk $0xffff, v12;
	v18 =	vadd.s32 v1, v7  }
0x203: {  	[tilespmem:v16+s29+$0x0] =	vst.idx.msk $0xffff, v15;
	v16 =	vadd.s32 v1, v5;
	v15 =	vld [tilespmem:s16+$0x10]  }
0x204: {  	v14 =	vadd.s32 v3, v13;
	[tilespmem:v20+s29+$0x0] =	vst.idx.msk $0xffff, v19;
	v11 =	vld [tilespmem:s8+$0x30]  }
0x205: {  	v12 =	vadd.s32 v2, v8;
	[tilespmem:v23+s29+$0x0] =	vst.idx.msk $0xffff, v21;
	v9 =	vld [tilespmem:s16+$0x60]  }
0x206: {  	s30 =	simm.s32 $0x8;
	s31 =	simm.s32 $0xC;
	s12 =	simm.s32 $0xB;
	v13 =	vadd.s32 v2, v4;
	[tilespmem:v25+s29+$0x0] =	vst.idx.msk $0xffff, v24;
	v10 =	vld [tilespmem:s16+$0xFFFFFFA0]  }
.LBB2_29:
0x207: {  	p0 =	slt.u32 s31, $0x7C;
	v19 =	vmov s12;
	[tilespmem:v18+s29+$0x0] =	vst.idx.msk $0xffff, v17;
	v17 =	vld [tilespmem:s8+$0xFFFFFFB0];
	v18 =	vadd.s32 v3, v6;
	v6 =	vmov v4;
	s8 =	smov.u32 s16  }
0x208: {  	v4 =	vmov s30;
	v21 =	vadd.s32 v2, v7;
	s16 =	sadd.s32 $0x100, s16;
	v19 =	vand.u32 $0x7F, v19;
	v20 =	vld [tilespmem:s8+$0xFFFFFFE0];
	[tilespmem:v16+s29+$0x0] =	vst.idx.msk $0xffff, v15  }
0x209: {  	s12 =	sadd.s32 $0x1, s30;
	v4 =	vand.u32 $0x7C, v4;
	v15 =	vld [tilespmem:s16+$0x40];
	v16 =	vadd.s32 v0, v19;
	[tilespmem:v14+s29+$0x0] =	vst.idx.msk $0xffff, v11  }
0x20a: {  	v22 =	vmov s12;
	s12 =	sadd.s32 $0x2, s30;
	s30 =	smov.u32 s31;
	v14 =	vadd.s32 v0, v4;
	v11 =	vld [tilespmem:s16+$0xFFFFFF80];
	[tilespmem:v12+s29+$0x0] =	vst.idx.msk $0xffff, v9  }
0x20b: {  	v9 =	vand.u32 $0x7D, v22;
	v12 =	vmov s12;
	[tilespmem:v13+s29+$0x0] =	vst.idx.msk $0xffff, v10;
	v10 =	vld [tilespmem:s8+$0x70];
	v13 =	vadd.s32 v3, v8;
	v8 =	vmovc v19  }
0x20c: {  	v22 =	vadd.s32 v0, v9;
	v12 =	vand.u32 $0x7E, v12;
	v19 =	vld [tilespmem:s16+$0xFFFFFFC0];
	[tilespmem:v18+s29+$0x0] =	vst.idx.msk $0xffff, v17  }
0x20d: {  	v24 =	vadd.s32 v0, v12;
	v23 =	vld [tilespmem:s16+$0x0];
	[tilespmem:v21+s29+$0x0] =	vst.idx.msk $0xffff, v20  }
0x20e: {  	v21 =	vadd.s32 v2, v5;
	[tilespmem:v16+s29+$0x0] =	vst.idx.msk $0xffff, v15;
	v20 =	vld [tilespmem:s8+$0x20]  }
0x20f: {  	[tilespmem:v14+s29+$0x0] =	vst.idx.msk $0xffff, v11;
	v11 =	vld [tilespmem:s16+$0x50];
	v14 =	vadd.s32 v1, v8  }
0x210: {  	v26 =	vadd.s32 v1, v4;
	v25 =	vld [tilespmem:s16+$0xFFFFFF90];
	[tilespmem:v13+s29+$0x0] =	vst.idx.msk $0xffff, v10  }
0x211: {  	[tilespmem:v22+s29+$0x0] =	vst.idx.msk $0xffff, v19;
	v19 =	vld [tilespmem:s8+$0xFFFFFFF0];
	v22 =	vadd.s32 v3, v7;
	v7 =	vmov v9  }
.Ltmp18:
0x212: {  	v17 =	vld [tilespmem:s16+$0xFFFFFFD0];
	v18 =	vadd.s32 v1, v7;
	[tilespmem:v24+s29+$0x0] =	vst.idx.msk $0xffff, v23;
	(pc) =	sbr.rel @p0 .LBB2_29-.Ltmp18, $4  }
0x213: {  	v16 =	vadd.s32 v1, v12;
	v15 =	vld [tilespmem:s16+$0x10];
	[tilespmem:v21+s29+$0x0] =	vst.idx.msk $0xffff, v20  }
0x214: {  	[tilespmem:v14+s29+$0x0] =	vst.idx.msk $0xffff, v11;
	v11 =	vld [tilespmem:s8+$0x30];
	v14 =	vadd.s32 v3, v5;
	v5 =	vmov v12  }
0x215: {  	v12 =	vadd.s32 v2, v8;
	[tilespmem:v26+s29+$0x0] =	vst.idx.msk $0xffff, v25;
	v9 =	vld [tilespmem:s16+$0x60]  }
0x216: {  	s31 =	sadd.s32 $0x4, s31;
	s12 =	sadd.s32 $0x3, s30;
	v13 =	vadd.s32 v2, v4;
	v10 =	vld [tilespmem:s16+$0xFFFFFFA0];
	[tilespmem:v22+s29+$0x0] =	vst.idx.msk $0xffff, v19  }
0x217: {  	_ =	sdelay $0x2  }
0x218: {  	v19 =	vmov s12  }
0x219: {  	s13 =	sadd.s32 $0x1, s30;
	[tilespmem:v18+s29+$0x0] =	vst.idx.msk $0xffff, v17;
	v30 =	vld [tilespmem:s8+$0xFFFFFFB0];
	v6 =	vadd.s32 v3, v6;
	s31 =	sadd.s32 $0x100, s16;
	v21 =	vmov s30;
	v31 =	vand.u32 $0x7F, v19  }
0x21a: {  	v32 =	vmov s13;
	s13 =	sadd.s32 $0x2, s30;
	[tilespmem:v16+s29+$0x0] =	vst.idx.msk $0xffff, v15;
	v33 =	vld [tilespmem:s31+$0x40];
	v21 =	vand.u32 $0x7C, v21;
	v34 =	vadd.s32 v0, v31  }
0x21b: {  	v22 =	vld [tilespmem:s31+$0xFFFFFF80];
	v19 =	vand.u32 $0x7D, v32;
	v20 =	vmov s13;
	[tilespmem:v14+s29+$0x0] =	vst.idx.msk $0xffff, v11;
	v39 =	vadd.s32 v0, v21  }
0x21c: {  	v35 =	vld [tilespmem:s31+$0xFFFFFFC0];
	v36 =	vadd.s32 v0, v19;
	v20 =	vand.u32 $0x7E, v20;
	[tilespmem:v12+s29+$0x0] =	vst.idx.msk $0xffff, v9  }
0x21d: {  	v37 =	vld [tilespmem:s31+$0x0];
	v38 =	vadd.s32 v0, v20;
	[tilespmem:v13+s29+$0x0] =	vst.idx.msk $0xffff, v10  }
0x21e: {  	v41 =	vadd.s32 v2, v7;
	v40 =	vld [tilespmem:s16+$0xFFFFFFE0];
	[tilespmem:v6+s29+$0x0] =	vst.idx.msk $0xffff, v30  }
0x21f: {  	v49 =	vadd.s32 v2, v5;
	v48 =	vld [tilespmem:s16+$0x20];
	[tilespmem:v34+s29+$0x0] =	vst.idx.msk $0xffff, v33  }
0x220: {  	v43 =	vadd.s32 v1, v31;
	[tilespmem:v39+s29+$0x0] =	vst.idx.msk $0xffff, v22;
	v15 =	vld [tilespmem:s31+$0x50]  }
0x221: {  	v47 =	vadd.s32 v1, v21;
	[tilespmem:v36+s29+$0x0] =	vst.idx.msk $0xffff, v35;
	v46 =	vld [tilespmem:s31+$0xFFFFFF90]  }
0x222: {  	v44 =	vadd.s32 v1, v19;
	v11 =	vld [tilespmem:s31+$0xFFFFFFD0];
	[tilespmem:v38+s29+$0x0] =	vst.idx.msk $0xffff, v37  }
0x223: {  	v45 =	vadd.s32 v1, v20;
	[tilespmem:v41+s29+$0x0] =	vst.idx.msk $0xffff, v40;
	v9 =	vld [tilespmem:s31+$0x10]  }
0x224: {  	v8 =	vadd.s32 v3, v8;
	v42 =	vld [tilespmem:s16+$0x70];
	[tilespmem:v49+s29+$0x0] =	vst.idx.msk $0xffff, v48  }
0x225: {  	v5 =	vadd.s32 v3, v5;
	v13 =	vld [tilespmem:s16+$0x30];
	[tilespmem:v43+s29+$0x0] =	vst.idx.msk $0xffff, v15  }
0x226: {  	v52 =	vadd.s32 v2, v31;
	[tilespmem:v47+s29+$0x0] =	vst.idx.msk $0xffff, v46;
	v15 =	vld [tilespmem:s31+$0x60]  }
0x227: {  	v57 =	vadd.s32 v2, v21;
	[tilespmem:v44+s29+$0x0] =	vst.idx.msk $0xffff, v11;
	v56 =	vld [tilespmem:s31+$0xFFFFFFA0]  }
0x228: {  	v53 =	vadd.s32 v2, v19;
	v11 =	vld [tilespmem:s31+$0xFFFFFFE0];
	[tilespmem:v45+s29+$0x0] =	vst.idx.msk $0xffff, v9  }
0x229: {  	v55 =	vadd.s32 v2, v20;
	[tilespmem:v8+s29+$0x0] =	vst.idx.msk $0xffff, v42;
	v54 =	vld [tilespmem:s31+$0x20]  }
0x22a: {  	v4 =	vadd.s32 v3, v4;
	v58 =	vld [tilespmem:s16+$0xFFFFFFB0];
	[tilespmem:v5+s29+$0x0] =	vst.idx.msk $0xffff, v13  }
0x22b: {  	v51 =	vadd.s32 v3, v7;
	v50 =	vld [tilespmem:s16+$0xFFFFFFF0];
	[tilespmem:v52+s29+$0x0] =	vst.idx.msk $0xffff, v15  }
0x22c: {  	v60 =	vadd.s32 v3, v31;
	[tilespmem:v57+s29+$0x0] =	vst.idx.msk $0xffff, v56;
	v59 =	vld [tilespmem:s31+$0x70]  }
0x22d: {  	v63 =	vadd.s32 v3, v21;
	[tilespmem:v53+s29+$0x0] =	vst.idx.msk $0xffff, v11;
	v5 =	vld [tilespmem:s31+$0xFFFFFFB0]  }
0x22e: {  	v61 =	vadd.s32 v3, v19;
	v11 =	vld [tilespmem:s31+$0xFFFFFFF0];
	[tilespmem:v55+s29+$0x0] =	vst.idx.msk $0xffff, v54  }
0x22f: {  	v62 =	vadd.s32 v3, v20;
	[tilespmem:v4+s29+$0x0] =	vst.idx.msk $0xffff, v58;
	v6 =	vld [tilespmem:s31+$0x30]  }
0x230: {  	[tilespmem:v51+s29+$0x0] =	vst.idx.msk $0xffff, v50  }
0x231: {  	[tilespmem:v60+s29+$0x0] =	vst.idx.msk $0xffff, v59  }
0x232: {  	[tilespmem:v63+s29+$0x0] =	vst.idx.msk $0xffff, v5  }
0x233: {  	[tilespmem:v61+s29+$0x0] =	vst.idx.msk $0xffff, v11  }
0x234: {  	s13 =	sadd.s32 s14, s7;
	s31 =	simm.s32 $0x11A00;
	[tilespmem:v62+s29+$0x0] =	vst.idx.msk $0xffff, v6  }
0x235: {  	[hbm4b:s13+s2] =	stream.linear.scatter [tilespmem:s31], [sflag:$0x8], $0x80, $0x38;
	[tilespmem:$0x13C00] =	vst v63  }
0x236: {  	s12 =	simm.s32 $0x11A88;
	s14 =	sadd.s32 $0x10, s13  }
0x237: {  	[hbm4b:s14+s2] =	stream.linear.scatter [tilespmem:s12], [sflag:$0x8], $0x80, $0x38;
	[tilespmem:$0x13C00] =	vst v63  }
0x238: {  	s16 =	simm.s32 $0x11B10;
	s31 =	sadd.s32 $0x20, s13  }
0x239: {  	[hbm4b:s31+s2] =	stream.linear.scatter [tilespmem:s16], [sflag:$0x8], $0x80, $0x38;
	[tilespmem:$0x13C00] =	vst v63  }
0x23a: {  	s12 =	simm.s32 $0x11B98;
	s14 =	sadd.s32 $0x30, s13  }
0x23b: {  	[hbm4b:s14+s2] =	stream.linear.scatter [tilespmem:s12], [sflag:$0x8], $0x80, $0x38;
	[tilespmem:$0x13C00] =	vst v63  }
0x23c: {  	s16 =	simm.s32 $0x11C20;
	s31 =	sadd.s32 $0x40, s13  }
0x23d: {  	[hbm4b:s31+s2] =	stream.linear.scatter [tilespmem:s16], [sflag:$0x8], $0x80, $0x38;
	[tilespmem:$0x13C00] =	vst v63  }
0x23e: {  	s8 =	simm.s32 $0x440;
	s12 =	simm.s32 $0x11CA8;
	s14 =	sadd.s32 $0x50, s13  }
0x23f: {  	[hbm4b:s14+s2] =	stream.linear.scatter [tilespmem:s12], [sflag:$0x8], $0x80, $0x38;
	[tilespmem:$0x13C00] =	vst v63  }
0x240: {  	s30 =	sadd.s32 $0x70, s13;
	s16 =	simm.s32 $0x11D30;
	s31 =	sadd.s32 $0x60, s13  }
0x241: {  	[hbm4b:s31+s2] =	stream.linear.scatter [tilespmem:s16], [sflag:$0x8], $0x80, $0x38;
	[tilespmem:$0x13C00] =	vst v63  }
0x242: {  	s12 =	simm.s32 $0x11DB8;
	s14 =	sadd.s32 $0x4000, s13;
	s16 =	simm.s32 $0x2200  }
.LBB2_31:
0x243: {  	[hbm4b:s30+s2] =	stream.linear.scatter [tilespmem:s12], [sflag:$0x8], $0x80, $0x38;
	[tilespmem:$0x13C00] =	vst v63  }
0x244: {  	s12 =	smov.u32 s8;
	s8 =	smov.u32 s16  }
0x245: {  	s13 =	sadd.s32 $0x1100, s16;
	s8 =	sshra.s32 s8, $0x2;
	s30 =	sadd.s32 $0x11A00, s12  }
0x246: {  	[hbm4b:s14+s2] =	stream.linear.scatter [tilespmem:s30], [sflag:$0x8], $0x80, $0x38;
	[tilespmem:$0x13C00] =	vst v63  }
0x247: {  	p0 =	sne.s32 s16, $0x7700;
	s16 =	sadd.s32 $0x11A88, s12;
	s30 =	sadd.s32 $0x10, s14  }
0x248: {  	[hbm4b:s30+s2] =	stream.linear.scatter [tilespmem:s16], [sflag:$0x8], $0x80, $0x38;
	[tilespmem:$0x13C00] =	vst v63  }
0x249: {  	s16 =	sadd.s32 $0x11B10, s12;
	s30 =	sadd.s32 $0x20, s14  }
0x24a: {  	[hbm4b:s30+s2] =	stream.linear.scatter [tilespmem:s16], [sflag:$0x8], $0x80, $0x38;
	[tilespmem:$0x13C00] =	vst v63  }
0x24b: {  	s16 =	sadd.s32 $0x11B98, s12;
	s30 =	sadd.s32 $0x30, s14  }
0x24c: {  	[hbm4b:s30+s2] =	stream.linear.scatter [tilespmem:s16], [sflag:$0x8], $0x80, $0x38;
	[tilespmem:$0x13C00] =	vst v63  }
0x24d: {  	s16 =	sadd.s32 $0x11C20, s12;
	s30 =	sadd.s32 $0x40, s14  }
0x24e: {  	[hbm4b:s30+s2] =	stream.linear.scatter [tilespmem:s16], [sflag:$0x8], $0x80, $0x38;
	[tilespmem:$0x13C00] =	vst v63  }
.Ltmp19:
0x24f: {  	s16 =	sadd.s32 $0x11CA8, s12;
	s30 =	sadd.s32 $0x50, s14;
	(pc) =	sbr.rel @p0 .LBB2_31-.Ltmp19, $4  }
0x250: {  	[hbm4b:s30+s2] =	stream.linear.scatter [tilespmem:s16], [sflag:$0x8], $0x80, $0x38;
	[tilespmem:$0x13C00] =	vst v63  }
0x251: {  	s16 =	sadd.s32 $0x11D30, s12;
	s30 =	sadd.s32 $0x60, s14;
	s12 =	sadd.s32 $0x11DB8, s12  }
0x252: {  	[hbm4b:s30+s2] =	stream.linear.scatter [tilespmem:s16], [sflag:$0x8], $0x80, $0x38;
	[tilespmem:$0x13C00] =	vst v63  }
0x253: {  	s30 =	sadd.s32 $0x70, s14;
	s14 =	sadd.s32 $0x4000, s14;
	s16 =	smov.u32 s13  }
0x254: {  	[hbm4b:s30+s2] =	stream.linear.scatter [tilespmem:s12], [sflag:$0x8], $0x80, $0x38;
	[tilespmem:$0x13C00] =	vst v63  }
0x255: {  	s30 =	sadd.s32 $0x11A00, s8  }
0x256: {  	[hbm4b:s14+s2] =	stream.linear.scatter [tilespmem:s30], [sflag:$0x8], $0x80, $0x38;
	[tilespmem:$0x13C00] =	vst v63  }
0x257: {  	s31 =	sadd.s32 $0x11A88, s8;
	s13 =	sadd.s32 $0x10, s14  }
0x258: {  	[hbm4b:s13+s2] =	stream.linear.scatter [tilespmem:s31], [sflag:$0x8], $0x80, $0x38;
	[tilespmem:$0x13C00] =	vst v63  }
0x259: {  	s16 =	sadd.s32 $0x20, s14;
	s13 =	sadd.s32 $0x11B10, s8  }
0x25a: {  	[hbm4b:s16+s2] =	stream.linear.scatter [tilespmem:s13], [sflag:$0x8], $0x80, $0x38;
	[tilespmem:$0x13C00] =	vst v63  }
0x25b: {  	s30 =	sadd.s32 $0x11B98, s8;
	s31 =	sadd.s32 $0x30, s14  }
0x25c: {  	[hbm4b:s31+s2] =	stream.linear.scatter [tilespmem:s30], [sflag:$0x8], $0x80, $0x38;
	[tilespmem:$0x13C00] =	vst v63  }
0x25d: {  	s13 =	sadd.s32 $0x11C20, s8;
	s16 =	sadd.s32 $0x40, s14  }
0x25e: {  	[hbm4b:s16+s2] =	stream.linear.scatter [tilespmem:s13], [sflag:$0x8], $0x80, $0x38;
	[tilespmem:$0x13C00] =	vst v63  }
0x25f: {  	p0 =	seq.s32 s1, $0x19;
	s30 =	sadd.s32 $0x11CA8, s8;
	s31 =	sadd.s32 $0x50, s14  }
0x260: {  	[hbm4b:s31+s2] =	stream.linear.scatter [tilespmem:s30], [sflag:$0x8], $0x80, $0x38;
	[tilespmem:$0x13C00] =	vst v63  }
.Ltmp20:
0x261: {  	_ = 	snop;
	(pc) =	sbr.rel @p0 .LBB2_34-.Ltmp20, $4  }
0x262: {  	s13 =	sadd.s32 $0x11D30, s8;
	s16 =	sadd.s32 $0x60, s14  }
0x263: {  	[hbm4b:s16+s2] =	stream.linear.scatter [tilespmem:s13], [sflag:$0x8], $0x80, $0x38;
	[tilespmem:$0x13C00] =	vst v63  }
0x264: {  	s30 =	sadd.s32 $0x11DB8, s8;
	s31 =	sadd.s32 $0x70, s14  }
0x265: {  	[hbm4b:s31+s2] =	stream.linear.scatter [tilespmem:s30], [sflag:$0x8], $0x80, $0x38;
	[tilespmem:$0x13C00] =	vst v63  }
.Ltmp21:
0x266: {  	(pc) =	sbr.rel .LBB2_4-.Ltmp21, $4  }
0x267: {  	s8 =	sshll.u32 s1, $0x9  }
0x268: {  	s8 =	sand.u32 $0x3FFFFE00, s8  }
0x269: {  	s1 =	sadd.s32 $0x1, s1;
	s8 =	sadd.s32 $0x380, s8  }
0x26a: {  	[tilespmem:s17], [sflag:$0x4] =	stream.indirect.gather [hbm4b:s3+s11], $0x40, s8, s11, $0xb8;
	[tilespmem:$0x13C00] =	vst v63  }
.LBB2_35:
0x26b: {  	_ =	sfence.sel $0x180000  }
0x26c: {  	[bflag:$0x0] =	sbarrier.arrive $0xFFFF  }
0x26d: {  	_ =	strace $0x90000047  }
0x26e: {  	s0 =	stileid.u32;
	[bflag:$0x2] =	sbarrier.arrive $0xFFFF  }
0x26f: {  	p0 =	sne.s32 s0, $0x0;
	s0 =	rddreg [dreg:$0x2]  }
0x270: {  	s0 =	sadd.s32 @!p0 $0x100000, s0  }
0x271: {  	[sflag:s0] =	ssyncadd.tile.s32 @!p0 $0x1;
	_ =	shalt  }
.Lfunc_end2:
_tile_overlayer_lowered:
.L_overlay_start_2:
0x272: {  	(tag) =	ssettag $0x2  }
0x273: {  	s0 =	rddreg [dreg:$0x0];
	s2 =	stileid.u32  }
0x274: {  	s1 =	rddreg [dreg:$0x1];
	p0 =	sne.s32 s2, $0x0  }
0x275: {  	s3 =	rddreg [dreg:$0x2];
	[bflag:$0x3] =	sbarrier.arrive $0xFFFF;
	s2 =	simm.s32 @!p0 $0x1C09  }
0x276: {  	[timem:s3], [sflag:s2] =	dma.local @!p0 [hbm:s0], s1  }
0x277: {  	s0 =	simm.s32 @!p0 $0x9  }
0x278: {  	_ =	swait.ge @!p0 [sflag:s0], s1  }
0x279: {  	s1 =	ssub.s32 @!p0 $0x0, s1;
	[sflag:s0] =	ssyncset.done @!p0 $0x0  }
0x27a: {  	[sflag:s0] =	ssyncadd.s32 @!p0 s1  }
0x27b: {  	[bflag:$0x3] =	sbarrier.arrive $0xFFFF  }
0x27c: {  	_ =	shalt  }

</sc_bundles>
